<compile_context>
chip_gen: v7x
topology: tpu7x:2x2x1
jax: 0.10.2.dev20260603
libtpu: 0.0.44.dev20260713+nightly
codegen_flags: <defaults>
</compile_context>

<pallas_src>
import functools

import jax
import jax.numpy as jnp
from jax import lax
from jax.experimental import pallas as pl
from jax.experimental.pallas import tpu as pltpu
from jax.experimental.pallas import tpu_sc as plsc

B = 16384
EMB = 64
NC, NS, L = 2, 16, 16
NW = NC * NS
BPW = B // NW
RPC = L // 2
CHUNKS = BPW // RPC
NBLK = 1
CPB = CHUNKS // NBLK

_mesh = plsc.VectorSubcoreMesh(
    core_axis_name="c", subcore_axis_name="s", num_cores=NC, num_subcores=NS
)


@functools.partial(
    pl.kernel,
    out_type=jax.ShapeDtypeStruct((B * EMB,), jnp.float32),
    mesh=_mesh,
    scratch_types=[
        pltpu.VMEM((BPW * 2,), jnp.int32),
        pltpu.VMEM((16 * EMB,), jnp.float32),
        pltpu.VMEM((BPW * EMB,), jnp.float32),
        pltpu.SemaphoreType.DMA,
    ],
    compiler_params=pltpu.CompilerParams(
        needs_layout_passes=False, use_tc_tiling_on_sc=False
    ),
)
def _encode(x_hbm, tab_hbm, out_hbm, xv, tabv, rows, sem):
    wid = lax.axis_index("s") * NC + lax.axis_index("c")
    base = wid * BPW

    cx = pltpu.async_copy(x_hbm.at[pl.ds(base * 2, BPW * 2)], xv, sem)
    ct = pltpu.async_copy(tab_hbm, tabv, sem)
    cx.wait()
    ct.wait()

    lane = lax.iota(jnp.int32, L)
    lane2 = lane * 2
    lane64 = lane * EMB

    def chunk(j):
        v = xv[pl.ds(L * j, L)]
        for u in range(RPC):
            t = v[2 * u]
            src = t * EMB
            dst = (RPC * j + u) * EMB
            for k in range(EMB // L):
                rows[pl.ds(dst + k * L, L)] = tabv[pl.ds(src + k * L, L)]

    def sizes(g):
        s16 = plsc.load_gather(xv, [lane2 + (2 * L * g + 1)])
        s = s16.astype(jnp.float32) * (1.0 / 1000.0)
        plsc.store_scatter(rows, [lane64 + (g * L * EMB + EMB - 1)], s)

    gpb = CPB * RPC // L
    copies = []
    for q in range(NBLK):
        plsc.parallel_loop(q * CPB, (q + 1) * CPB, unroll=2)(chunk)
        plsc.parallel_loop(q * gpb, (q + 1) * gpb, unroll=2)(sizes)
        blk = q * CPB * RPC * EMB
        copies.append(
            pltpu.async_copy(
                rows.at[pl.ds(blk, CPB * RPC * EMB)],
                out_hbm.at[pl.ds(base * EMB + blk, CPB * RPC * EMB)],
                sem,
            )
        )
    for c in copies:
        c.wait()


def kernel(x, type_embedding):
    tab = jnp.pad(type_embedding, ((0, 0), (0, 1)))
    out = _encode(x.reshape(-1).astype(jnp.int32), tab.reshape(-1))
    return out.reshape(B, EMB)

# --- scband reference (transcript-rebuilt; emitter-appended) ---
"""Pipeline reference for scband-cluster-encoder-37941741093446 (READ-ONLY COPY).

The authoritative reference and input builder live on the scoring server;
editing this copy changes nothing except your own understanding.
"""

import jax, jax.numpy as jnp
import numpy as np

NUM_TYPES = 16
EMB_DIM = 64
MAX_CLUSTER_SIZE = 1000.0
BATCH = 16384


def setup_inputs(seed: int = 0) -> dict:
    key = jax.random.key(seed)
    k1, k2 = jax.random.split(key)
    x = jax.random.randint(k1, (BATCH, 2), 0, NUM_TYPES)
    type_embedding = jax.random.normal(k2, (NUM_TYPES, EMB_DIM - 1), dtype=jnp.float32)
    return {"x": x, "type_embedding": type_embedding}


def reference(x, type_embedding):
    # type_emb = self.type_embedding(x[:, 0])
    type_emb = jnp.take(type_embedding, x[:, 0], axis=0)
    # size = x[:, 1].unsqueeze(1).float() / Cluster.max_cluster_size
    size = (x[:, 1].astype(jnp.float32) / MAX_CLUSTER_SIZE)[:, None]
    # torch.cat([type_emb, size], dim=1)
    return jnp.concatenate([type_emb, size], axis=1)

if __name__ == "__main__":
    import jax
    _d = setup_inputs()
    print(jax.jit(kernel)(*tuple(_d.values())))

</pallas_src>

<mosaic_0001>
#map = affine_map<(d0, d1) -> (0)>
module attributes {stable_mosaic.version = 14 : i64} {
  func.func @_encode(%arg0: i32, %arg1: i32, %arg2: memref<32768xi32, #tpu.memory_space<hbm>>, %arg3: memref<1024xf32, #tpu.memory_space<hbm>>, %arg4: memref<1048576xf32, #tpu.memory_space<hbm>>, %arg5: memref<1024xi32, #tpu.memory_space<vmem>>, %arg6: memref<1024xf32, #tpu.memory_space<vmem>>, %arg7: memref<32768xf32, #tpu.memory_space<vmem>>, %arg8: memref<!tpu.dma_semaphore, #tpu.memory_space<semaphore_mem>>) attributes {dimension_semantics = [#tpu.dimension_semantics<core_parallel>, #tpu.dimension_semantics<subcore_parallel>], iteration_bounds = array<i64: 2, 16>, scalar_prefetch = 0 : i64, scratch_operands = 4 : i64, tpu.core_type = #tpu.core_type<sc_vector_subcore>, window_params = [{transform_indices = #map}, {transform_indices = #map}, {transform_indices = #map}]} {
    %mul3A = arith.constant 2 : i32
    %mul3A_0 = arith.muli %arg1, %mul3A : i32
    %add3A = arith.addi %mul3A_0, %arg0 : i32
    %mul3A_1 = arith.constant 512 : i32
    %mul3A_2 = arith.muli %add3A, %mul3A_1 : i32
    %mul3A_3 = arith.constant 2 : i32
    %mul3A_4 = arith.muli %mul3A_2, %mul3A_3 : i32
    %dma_start3A = tpu.memref_slice %arg2[%mul3A_4] : memref<32768xi32, #tpu.memory_space<hbm>> -> memref<1024xi32, #tpu.memory_space<hbm>>
    %dma_start3A_5 = tpu.memref_slice %arg2[%mul3A_4] : memref<32768xi32, #tpu.memory_space<hbm>> -> memref<1024xi32, #tpu.memory_space<hbm>>
    tpu.enqueue_dma source(%dma_start3A_5 : memref<1024xi32, #tpu.memory_space<hbm>>) target(%arg5 : memref<1024xi32, #tpu.memory_space<vmem>>) target_semaphore(%arg8 : memref<!tpu.dma_semaphore, #tpu.memory_space<semaphore_mem>>)
    tpu.enqueue_dma source(%arg3 : memref<1024xf32, #tpu.memory_space<hbm>>) target(%arg6 : memref<1024xf32, #tpu.memory_space<vmem>>) target_semaphore(%arg8 : memref<!tpu.dma_semaphore, #tpu.memory_space<semaphore_mem>>)
    %dma_wait3A = tpu.memref_slice %arg2[%mul3A_4] : memref<32768xi32, #tpu.memory_space<hbm>> -> memref<1024xi32, #tpu.memory_space<hbm>>
    %dma_wait3A_6 = tpu.memref_slice %arg2[%mul3A_4] : memref<32768xi32, #tpu.memory_space<hbm>> -> memref<1024xi32, #tpu.memory_space<hbm>>
    tpu.wait_dma2 semaphore(%arg8 : memref<!tpu.dma_semaphore, #tpu.memory_space<semaphore_mem>>) src(%dma_wait3A_6 : memref<1024xi32, #tpu.memory_space<hbm>>) dst(%arg5 : memref<1024xi32, #tpu.memory_space<vmem>>)
    tpu.wait_dma2 semaphore(%arg8 : memref<!tpu.dma_semaphore, #tpu.memory_space<semaphore_mem>>) src(%arg3 : memref<1024xf32, #tpu.memory_space<hbm>>) dst(%arg6 : memref<1024xf32, #tpu.memory_space<vmem>>)
    %iota3A = tpu.iota {dimensions = array<i32: 0>} : vector<16xi32>
    %mul3A_7 = arith.constant 2 : i32
    %mul3A_8 = vector.broadcast %mul3A_7 : i32 to vector<16xi32>
    %mul3A_9 = arith.muli %iota3A, %mul3A_8 : vector<16xi32>
    %mul3A_10 = arith.constant 64 : i32
    %mul3A_11 = vector.broadcast %mul3A_10 : i32 to vector<16xi32>
    %mul3A_12 = arith.muli %iota3A, %mul3A_11 : vector<16xi32>
    %parallel_loop3A = arith.constant 0 : i32
    %parallel_loop3A_13 = arith.constant 64 : i32
    %parallel_loop3A_14 = arith.constant 1 : i32
    scf.for %parallel_loop3A_34 = %parallel_loop3A to %parallel_loop3A_13 step %parallel_loop3A_14  : i32 {
      %parallel_loop3A_35 = arith.constant 16 : i32
      %parallel_loop3A_36 = arith.muli %parallel_loop3A_35, %parallel_loop3A_34 : i32
      %parallel_loop3A_37 = arith.index_cast %parallel_loop3A_36 : i32 to index
      %parallel_loop3A_38 = tpu.vector_load %arg5[%parallel_loop3A_37] {strides = array<i32>} : memref<1024xi32, #tpu.memory_space<vmem>>, vector<16xi32>,
      %parallel_loop3A_39 = vector.extract_strided_slice %parallel_loop3A_38 {offsets = [0], sizes = [1], strides = [1]} : vector<16xi32> to vector<1xi32>
      %parallel_loop3A_40 = vector.extract %parallel_loop3A_39[0] : i32 from vector<1xi32>
      %parallel_loop3A_41 = arith.constant 64 : i32
      %parallel_loop3A_42 = arith.muli %parallel_loop3A_40, %parallel_loop3A_41 : i32
      %parallel_loop3A_43 = arith.constant 8 : i32
      %parallel_loop3A_44 = arith.muli %parallel_loop3A_43, %parallel_loop3A_34 : i32
      %parallel_loop3A_45 = arith.constant 0 : i32
      %parallel_loop3A_46 = arith.addi %parallel_loop3A_44, %parallel_loop3A_45 : i32
      %parallel_loop3A_47 = arith.constant 64 : i32
      %parallel_loop3A_48 = arith.muli %parallel_loop3A_46, %parallel_loop3A_47 : i32
      %parallel_loop3A_49 = arith.constant 0 : i32
      %parallel_loop3A_50 = arith.addi %parallel_loop3A_42, %parallel_loop3A_49 : i32
      %parallel_loop3A_51 = arith.index_cast %parallel_loop3A_50 : i32 to index
      %parallel_loop3A_52 = tpu.vector_load %arg6[%parallel_loop3A_51] {strides = array<i32>} : memref<1024xf32, #tpu.memory_space<vmem>>, vector<16xf32>,
      %parallel_loop3A_53 = arith.constant 0 : i32
      %parallel_loop3A_54 = arith.addi %parallel_loop3A_48, %parallel_loop3A_53 : i32
      %parallel_loop3A_55 = arith.index_cast %parallel_loop3A_54 : i32 to index
      %parallel_loop3A_56 = tpu.vector_load %arg7[%parallel_loop3A_55] {strides = array<i32>} : memref<32768xf32, #tpu.memory_space<vmem>>, vector<16xf32>,
      tpu.vector_store %arg7[%parallel_loop3A_55], %parallel_loop3A_52 {strides = array<i32>} : memref<32768xf32, #tpu.memory_space<vmem>>, vector<16xf32>,
      %parallel_loop3A_57 = arith.constant 16 : i32
      %parallel_loop3A_58 = arith.addi %parallel_loop3A_42, %parallel_loop3A_57 : i32
      %parallel_loop3A_59 = arith.index_cast %parallel_loop3A_58 : i32 to index
      %parallel_loop3A_60 = tpu.vector_load %arg6[%parallel_loop3A_59] {strides = array<i32>} : memref<1024xf32, #tpu.memory_space<vmem>>, vector<16xf32>,
      %parallel_loop3A_61 = arith.constant 16 : i32
      %parallel_loop3A_62 = arith.addi %parallel_loop3A_48, %parallel_loop3A_61 : i32
      %parallel_loop3A_63 = arith.index_cast %parallel_loop3A_62 : i32 to index
      %parallel_loop3A_64 = tpu.vector_load %arg7[%parallel_loop3A_63] {strides = array<i32>} : memref<32768xf32, #tpu.memory_space<vmem>>, vector<16xf32>,
      tpu.vector_store %arg7[%parallel_loop3A_63], %parallel_loop3A_60 {strides = array<i32>} : memref<32768xf32, #tpu.memory_space<vmem>>, vector<16xf32>,
      %parallel_loop3A_65 = arith.constant 32 : i32
      %parallel_loop3A_66 = arith.addi %parallel_loop3A_42, %parallel_loop3A_65 : i32
      %parallel_loop3A_67 = arith.index_cast %parallel_loop3A_66 : i32 to index
      %parallel_loop3A_68 = tpu.vector_load %arg6[%parallel_loop3A_67] {strides = array<i32>} : memref<1024xf32, #tpu.memory_space<vmem>>, vector<16xf32>,
      %parallel_loop3A_69 = arith.constant 32 : i32
      %parallel_loop3A_70 = arith.addi %parallel_loop3A_48, %parallel_loop3A_69 : i32
      %parallel_loop3A_71 = arith.index_cast %parallel_loop3A_70 : i32 to index
      %parallel_loop3A_72 = tpu.vector_load %arg7[%parallel_loop3A_71] {strides = array<i32>} : memref<32768xf32, #tpu.memory_space<vmem>>, vector<16xf32>,
      tpu.vector_store %arg7[%parallel_loop3A_71], %parallel_loop3A_68 {strides = array<i32>} : memref<32768xf32, #tpu.memory_space<vmem>>, vector<16xf32>,
      %parallel_loop3A_73 = arith.constant 48 : i32
      %parallel_loop3A_74 = arith.addi %parallel_loop3A_42, %parallel_loop3A_73 : i32
      %parallel_loop3A_75 = arith.index_cast %parallel_loop3A_74 : i32 to index
      %parallel_loop3A_76 = tpu.vector_load %arg6[%parallel_loop3A_75] {strides = array<i32>} : memref<1024xf32, #tpu.memory_space<vmem>>, vector<16xf32>,
      %parallel_loop3A_77 = arith.constant 48 : i32
      %parallel_loop3A_78 = arith.addi %parallel_loop3A_48, %parallel_loop3A_77 : i32
      %parallel_loop3A_79 = arith.index_cast %parallel_loop3A_78 : i32 to index
      %parallel_loop3A_80 = tpu.vector_load %arg7[%parallel_loop3A_79] {strides = array<i32>} : memref<32768xf32, #tpu.memory_space<vmem>>, vector<16xf32>,
      tpu.vector_store %arg7[%parallel_loop3A_79], %parallel_loop3A_76 {strides = array<i32>} : memref<32768xf32, #tpu.memory_space<vmem>>, vector<16xf32>,
      %parallel_loop3A_81 = vector.extract_strided_slice %parallel_loop3A_38 {offsets = [2], sizes = [1], strides = [1]} : vector<16xi32> to vector<1xi32>
      %parallel_loop3A_82 = vector.extract %parallel_loop3A_81[0] : i32 from vector<1xi32>
      %parallel_loop3A_83 = arith.constant 64 : i32
      %parallel_loop3A_84 = arith.muli %parallel_loop3A_82, %parallel_loop3A_83 : i32
      %parallel_loop3A_85 = arith.constant 8 : i32
      %parallel_loop3A_86 = arith.muli %parallel_loop3A_85, %parallel_loop3A_34 : i32
      %parallel_loop3A_87 = arith.constant 1 : i32
      %parallel_loop3A_88 = arith.addi %parallel_loop3A_86, %parallel_loop3A_87 : i32
      %parallel_loop3A_89 = arith.constant 64 : i32
      %parallel_loop3A_90 = arith.muli %parallel_loop3A_88, %parallel_loop3A_89 : i32
      %parallel_loop3A_91 = arith.constant 0 : i32
      %parallel_loop3A_92 = arith.addi %parallel_loop3A_84, %parallel_loop3A_91 : i32
      %parallel_loop3A_93 = arith.index_cast %parallel_loop3A_92 : i32 to index
      %parallel_loop3A_94 = tpu.vector_load %arg6[%parallel_loop3A_93] {strides = array<i32>} : memref<1024xf32, #tpu.memory_space<vmem>>, vector<16xf32>,
      %parallel_loop3A_95 = arith.constant 0 : i32
      %parallel_loop3A_96 = arith.addi %parallel_loop3A_90, %parallel_loop3A_95 : i32
      %parallel_loop3A_97 = arith.index_cast %parallel_loop3A_96 : i32 to index
      %parallel_loop3A_98 = tpu.vector_load %arg7[%parallel_loop3A_97] {strides = array<i32>} : memref<32768xf32, #tpu.memory_space<vmem>>, vector<16xf32>,
      tpu.vector_store %arg7[%parallel_loop3A_97], %parallel_loop3A_94 {strides = array<i32>} : memref<32768xf32, #tpu.memory_space<vmem>>, vector<16xf32>,
      %parallel_loop3A_99 = arith.constant 16 : i32
      %parallel_loop3A_100 = arith.addi %parallel_loop3A_84, %parallel_loop3A_99 : i32
      %parallel_loop3A_101 = arith.index_cast %parallel_loop3A_100 : i32 to index
      %parallel_loop3A_102 = tpu.vector_load %arg6[%parallel_loop3A_101] {strides = array<i32>} : memref<1024xf32, #tpu.memory_space<vmem>>, vector<16xf32>,
      %parallel_loop3A_103 = arith.constant 16 : i32
      %parallel_loop3A_104 = arith.addi %parallel_loop3A_90, %parallel_loop3A_103 : i32
      %parallel_loop3A_105 = arith.index_cast %parallel_loop3A_104 : i32 to index
      %parallel_loop3A_106 = tpu.vector_load %arg7[%parallel_loop3A_105] {strides = array<i32>} : memref<32768xf32, #tpu.memory_space<vmem>>, vector<16xf32>,
      tpu.vector_store %arg7[%parallel_loop3A_105], %parallel_loop3A_102 {strides = array<i32>} : memref<32768xf32, #tpu.memory_space<vmem>>, vector<16xf32>,
      %parallel_loop3A_107 = arith.constant 32 : i32
      %parallel_loop3A_108 = arith.addi %parallel_loop3A_84, %parallel_loop3A_107 : i32
      %parallel_loop3A_109 = arith.index_cast %parallel_loop3A_108 : i32 to index
      %parallel_loop3A_110 = tpu.vector_load %arg6[%parallel_loop3A_109] {strides = array<i32>} : memref<1024xf32, #tpu.memory_space<vmem>>, vector<16xf32>,
      %parallel_loop3A_111 = arith.constant 32 : i32
      %parallel_loop3A_112 = arith.addi %parallel_loop3A_90, %parallel_loop3A_111 : i32
      %parallel_loop3A_113 = arith.index_cast %parallel_loop3A_112 : i32 to index
      %parallel_loop3A_114 = tpu.vector_load %arg7[%parallel_loop3A_113] {strides = array<i32>} : memref<32768xf32, #tpu.memory_space<vmem>>, vector<16xf32>,
      tpu.vector_store %arg7[%parallel_loop3A_113], %parallel_loop3A_110 {strides = array<i32>} : memref<32768xf32, #tpu.memory_space<vmem>>, vector<16xf32>,
      %parallel_loop3A_115 = arith.constant 48 : i32
      %parallel_loop3A_116 = arith.addi %parallel_loop3A_84, %parallel_loop3A_115 : i32
      %parallel_loop3A_117 = arith.index_cast %parallel_loop3A_116 : i32 to index
      %parallel_loop3A_118 = tpu.vector_load %arg6[%parallel_loop3A_117] {strides = array<i32>} : memref<1024xf32, #tpu.memory_space<vmem>>, vector<16xf32>,
      %parallel_loop3A_119 = arith.constant 48 : i32
      %parallel_loop3A_120 = arith.addi %parallel_loop3A_90, %parallel_loop3A_119 : i32
      %parallel_loop3A_121 = arith.index_cast %parallel_loop3A_120 : i32 to index
      %parallel_loop3A_122 = tpu.vector_load %arg7[%parallel_loop3A_121] {strides = array<i32>} : memref<32768xf32, #tpu.memory_space<vmem>>, vector<16xf32>,
      tpu.vector_store %arg7[%parallel_loop3A_121], %parallel_loop3A_118 {strides = array<i32>} : memref<32768xf32, #tpu.memory_space<vmem>>, vector<16xf32>,
      %parallel_loop3A_123 = vector.extract_strided_slice %parallel_loop3A_38 {offsets = [4], sizes = [1], strides = [1]} : vector<16xi32> to vector<1xi32>
      %parallel_loop3A_124 = vector.extract %parallel_loop3A_123[0] : i32 from vector<1xi32>
      %parallel_loop3A_125 = arith.constant 64 : i32
      %parallel_loop3A_126 = arith.muli %parallel_loop3A_124, %parallel_loop3A_125 : i32
      %parallel_loop3A_127 = arith.constant 8 : i32
      %parallel_loop3A_128 = arith.muli %parallel_loop3A_127, %parallel_loop3A_34 : i32
      %parallel_loop3A_129 = arith.constant 2 : i32
      %parallel_loop3A_130 = arith.addi %parallel_loop3A_128, %parallel_loop3A_129 : i32
      %parallel_loop3A_131 = arith.constant 64 : i32
      %parallel_loop3A_132 = arith.muli %parallel_loop3A_130, %parallel_loop3A_131 : i32
      %parallel_loop3A_133 = arith.constant 0 : i32
      %parallel_loop3A_134 = arith.addi %parallel_loop3A_126, %parallel_loop3A_133 : i32
      %parallel_loop3A_135 = arith.index_cast %parallel_loop3A_134 : i32 to index
      %parallel_loop3A_136 = tpu.vector_load %arg6[%parallel_loop3A_135] {strides = array<i32>} : memref<1024xf32, #tpu.memory_space<vmem>>, vector<16xf32>,
      %parallel_loop3A_137 = arith.constant 0 : i32
      %parallel_loop3A_138 = arith.addi %parallel_loop3A_132, %parallel_loop3A_137 : i32
      %parallel_loop3A_139 = arith.index_cast %parallel_loop3A_138 : i32 to index
      %parallel_loop3A_140 = tpu.vector_load %arg7[%parallel_loop3A_139] {strides = array<i32>} : memref<32768xf32, #tpu.memory_space<vmem>>, vector<16xf32>,
      tpu.vector_store %arg7[%parallel_loop3A_139], %parallel_loop3A_136 {strides = array<i32>} : memref<32768xf32, #tpu.memory_space<vmem>>, vector<16xf32>,
      %parallel_loop3A_141 = arith.constant 16 : i32
      %parallel_loop3A_142 = arith.addi %parallel_loop3A_126, %parallel_loop3A_141 : i32
      %parallel_loop3A_143 = arith.index_cast %parallel_loop3A_142 : i32 to index
      %parallel_loop3A_144 = tpu.vector_load %arg6[%parallel_loop3A_143] {strides = array<i32>} : memref<1024xf32, #tpu.memory_space<vmem>>, vector<16xf32>,
      %parallel_loop3A_145 = arith.constant 16 : i32
      %parallel_loop3A_146 = arith.addi %parallel_loop3A_132, %parallel_loop3A_145 : i32
      %parallel_loop3A_147 = arith.index_cast %parallel_loop3A_146 : i32 to index
      %parallel_loop3A_148 = tpu.vector_load %arg7[%parallel_loop3A_147] {strides = array<i32>} : memref<32768xf32, #tpu.memory_space<vmem>>, vector<16xf32>,
      tpu.vector_store %arg7[%parallel_loop3A_147], %parallel_loop3A_144 {strides = array<i32>} : memref<32768xf32, #tpu.memory_space<vmem>>, vector<16xf32>,
      %parallel_loop3A_149 = arith.constant 32 : i32
      %parallel_loop3A_150 = arith.addi %parallel_loop3A_126, %parallel_loop3A_149 : i32
      %parallel_loop3A_151 = arith.index_cast %parallel_loop3A_150 : i32 to index
      %parallel_loop3A_152 = tpu.vector_load %arg6[%parallel_loop3A_151] {strides = array<i32>} : memref<1024xf32, #tpu.memory_space<vmem>>, vector<16xf32>,
      %parallel_loop3A_153 = arith.constant 32 : i32
      %parallel_loop3A_154 = arith.addi %parallel_loop3A_132, %parallel_loop3A_153 : i32
      %parallel_loop3A_155 = arith.index_cast %parallel_loop3A_154 : i32 to index
      %parallel_loop3A_156 = tpu.vector_load %arg7[%parallel_loop3A_155] {strides = array<i32>} : memref<32768xf32, #tpu.memory_space<vmem>>, vector<16xf32>,
      tpu.vector_store %arg7[%parallel_loop3A_155], %parallel_loop3A_152 {strides = array<i32>} : memref<32768xf32, #tpu.memory_space<vmem>>, vector<16xf32>,
      %parallel_loop3A_157 = arith.constant 48 : i32
      %parallel_loop3A_158 = arith.addi %parallel_loop3A_126, %parallel_loop3A_157 : i32
      %parallel_loop3A_159 = arith.index_cast %parallel_loop3A_158 : i32 to index
      %parallel_loop3A_160 = tpu.vector_load %arg6[%parallel_loop3A_159] {strides = array<i32>} : memref<1024xf32, #tpu.memory_space<vmem>>, vector<16xf32>,
      %parallel_loop3A_161 = arith.constant 48 : i32
      %parallel_loop3A_162 = arith.addi %parallel_loop3A_132, %parallel_loop3A_161 : i32
      %parallel_loop3A_163 = arith.index_cast %parallel_loop3A_162 : i32 to index
      %parallel_loop3A_164 = tpu.vector_load %arg7[%parallel_loop3A_163] {strides = array<i32>} : memref<32768xf32, #tpu.memory_space<vmem>>, vector<16xf32>,
      tpu.vector_store %arg7[%parallel_loop3A_163], %parallel_loop3A_160 {strides = array<i32>} : memref<32768xf32, #tpu.memory_space<vmem>>, vector<16xf32>,
      %parallel_loop3A_165 = vector.extract_strided_slice %parallel_loop3A_38 {offsets = [6], sizes = [1], strides = [1]} : vector<16xi32> to vector<1xi32>
      %parallel_loop3A_166 = vector.extract %parallel_loop3A_165[0] : i32 from vector<1xi32>
      %parallel_loop3A_167 = arith.constant 64 : i32
      %parallel_loop3A_168 = arith.muli %parallel_loop3A_166, %parallel_loop3A_167 : i32
      %parallel_loop3A_169 = arith.constant 8 : i32
      %parallel_loop3A_170 = arith.muli %parallel_loop3A_169, %parallel_loop3A_34 : i32
      %parallel_loop3A_171 = arith.constant 3 : i32
      %parallel_loop3A_172 = arith.addi %parallel_loop3A_170, %parallel_loop3A_171 : i32
      %parallel_loop3A_173 = arith.constant 64 : i32
      %parallel_loop3A_174 = arith.muli %parallel_loop3A_172, %parallel_loop3A_173 : i32
      %parallel_loop3A_175 = arith.constant 0 : i32
      %parallel_loop3A_176 = arith.addi %parallel_loop3A_168, %parallel_loop3A_175 : i32
      %parallel_loop3A_177 = arith.index_cast %parallel_loop3A_176 : i32 to index
      %parallel_loop3A_178 = tpu.vector_load %arg6[%parallel_loop3A_177] {strides = array<i32>} : memref<1024xf32, #tpu.memory_space<vmem>>, vector<16xf32>,
      %parallel_loop3A_179 = arith.constant 0 : i32
      %parallel_loop3A_180 = arith.addi %parallel_loop3A_174, %parallel_loop3A_179 : i32
      %parallel_loop3A_181 = arith.index_cast %parallel_loop3A_180 : i32 to index
      %parallel_loop3A_182 = tpu.vector_load %arg7[%parallel_loop3A_181] {strides = array<i32>} : memref<32768xf32, #tpu.memory_space<vmem>>, vector<16xf32>,
      tpu.vector_store %arg7[%parallel_loop3A_181], %parallel_loop3A_178 {strides = array<i32>} : memref<32768xf32, #tpu.memory_space<vmem>>, vector<16xf32>,
      %parallel_loop3A_183 = arith.constant 16 : i32
      %parallel_loop3A_184 = arith.addi %parallel_loop3A_168, %parallel_loop3A_183 : i32
      %parallel_loop3A_185 = arith.index_cast %parallel_loop3A_184 : i32 to index
      %parallel_loop3A_186 = tpu.vector_load %arg6[%parallel_loop3A_185] {strides = array<i32>} : memref<1024xf32, #tpu.memory_space<vmem>>, vector<16xf32>,
      %parallel_loop3A_187 = arith.constant 16 : i32
      %parallel_loop3A_188 = arith.addi %parallel_loop3A_174, %parallel_loop3A_187 : i32
      %parallel_loop3A_189 = arith.index_cast %parallel_loop3A_188 : i32 to index
      %parallel_loop3A_190 = tpu.vector_load %arg7[%parallel_loop3A_189] {strides = array<i32>} : memref<32768xf32, #tpu.memory_space<vmem>>, vector<16xf32>,
      tpu.vector_store %arg7[%parallel_loop3A_189], %parallel_loop3A_186 {strides = array<i32>} : memref<32768xf32, #tpu.memory_space<vmem>>, vector<16xf32>,
      %parallel_loop3A_191 = arith.constant 32 : i32
      %parallel_loop3A_192 = arith.addi %parallel_loop3A_168, %parallel_loop3A_191 : i32
      %parallel_loop3A_193 = arith.index_cast %parallel_loop3A_192 : i32 to index
      %parallel_loop3A_194 = tpu.vector_load %arg6[%parallel_loop3A_193] {strides = array<i32>} : memref<1024xf32, #tpu.memory_space<vmem>>, vector<16xf32>,
      %parallel_loop3A_195 = arith.constant 32 : i32
      %parallel_loop3A_196 = arith.addi %parallel_loop3A_174, %parallel_loop3A_195 : i32
      %parallel_loop3A_197 = arith.index_cast %parallel_loop3A_196 : i32 to index
      %parallel_loop3A_198 = tpu.vector_load %arg7[%parallel_loop3A_197] {strides = array<i32>} : memref<32768xf32, #tpu.memory_space<vmem>>, vector<16xf32>,
      tpu.vector_store %arg7[%parallel_loop3A_197], %parallel_loop3A_194 {strides = array<i32>} : memref<32768xf32, #tpu.memory_space<vmem>>, vector<16xf32>,
      %parallel_loop3A_199 = arith.constant 48 : i32
      %parallel_loop3A_200 = arith.addi %parallel_loop3A_168, %parallel_loop3A_199 : i32
      %parallel_loop3A_201 = arith.index_cast %parallel_loop3A_200 : i32 to index
      %parallel_loop3A_202 = tpu.vector_load %arg6[%parallel_loop3A_201] {strides = array<i32>} : memref<1024xf32, #tpu.memory_space<vmem>>, vector<16xf32>,
      %parallel_loop3A_203 = arith.constant 48 : i32
      %parallel_loop3A_204 = arith.addi %parallel_loop3A_174, %parallel_loop3A_203 : i32
      %parallel_loop3A_205 = arith.index_cast %parallel_loop3A_204 : i32 to index
      %parallel_loop3A_206 = tpu.vector_load %arg7[%parallel_loop3A_205] {strides = array<i32>} : memref<32768xf32, #tpu.memory_space<vmem>>, vector<16xf32>,
      tpu.vector_store %arg7[%parallel_loop3A_205], %parallel_loop3A_202 {strides = array<i32>} : memref<32768xf32, #tpu.memory_space<vmem>>, vector<16xf32>,
      %parallel_loop3A_207 = vector.extract_strided_slice %parallel_loop3A_38 {offsets = [8], sizes = [1], strides = [1]} : vector<16xi32> to vector<1xi32>
      %parallel_loop3A_208 = vector.extract %parallel_loop3A_207[0] : i32 from vector<1xi32>
      %parallel_loop3A_209 = arith.constant 64 : i32
      %parallel_loop3A_210 = arith.muli %parallel_loop3A_208, %parallel_loop3A_209 : i32
      %parallel_loop3A_211 = arith.constant 8 : i32
      %parallel_loop3A_212 = arith.muli %parallel_loop3A_211, %parallel_loop3A_34 : i32
      %parallel_loop3A_213 = arith.constant 4 : i32
      %parallel_loop3A_214 = arith.addi %parallel_loop3A_212, %parallel_loop3A_213 : i32
      %parallel_loop3A_215 = arith.constant 64 : i32
      %parallel_loop3A_216 = arith.muli %parallel_loop3A_214, %parallel_loop3A_215 : i32
      %parallel_loop3A_217 = arith.constant 0 : i32
      %parallel_loop3A_218 = arith.addi %parallel_loop3A_210, %parallel_loop3A_217 : i32
      %parallel_loop3A_219 = arith.index_cast %parallel_loop3A_218 : i32 to index
      %parallel_loop3A_220 = tpu.vector_load %arg6[%parallel_loop3A_219] {strides = array<i32>} : memref<1024xf32, #tpu.memory_space<vmem>>, vector<16xf32>,
      %parallel_loop3A_221 = arith.constant 0 : i32
      %parallel_loop3A_222 = arith.addi %parallel_loop3A_216, %parallel_loop3A_221 : i32
      %parallel_loop3A_223 = arith.index_cast %parallel_loop3A_222 : i32 to index
      %parallel_loop3A_224 = tpu.vector_load %arg7[%parallel_loop3A_223] {strides = array<i32>} : memref<32768xf32, #tpu.memory_space<vmem>>, vector<16xf32>,
      tpu.vector_store %arg7[%parallel_loop3A_223], %parallel_loop3A_220 {strides = array<i32>} : memref<32768xf32, #tpu.memory_space<vmem>>, vector<16xf32>,
      %parallel_loop3A_225 = arith.constant 16 : i32
      %parallel_loop3A_226 = arith.addi %parallel_loop3A_210, %parallel_loop3A_225 : i32
      %parallel_loop3A_227 = arith.index_cast %parallel_loop3A_226 : i32 to index
      %parallel_loop3A_228 = tpu.vector_load %arg6[%parallel_loop3A_227] {strides = array<i32>} : memref<1024xf32, #tpu.memory_space<vmem>>, vector<16xf32>,
      %parallel_loop3A_229 = arith.constant 16 : i32
      %parallel_loop3A_230 = arith.addi %parallel_loop3A_216, %parallel_loop3A_229 : i32
      %parallel_loop3A_231 = arith.index_cast %parallel_loop3A_230 : i32 to index
      %parallel_loop3A_232 = tpu.vector_load %arg7[%parallel_loop3A_231] {strides = array<i32>} : memref<32768xf32, #tpu.memory_space<vmem>>, vector<16xf32>,
      tpu.vector_store %arg7[%parallel_loop3A_231], %parallel_loop3A_228 {strides = array<i32>} : memref<32768xf32, #tpu.memory_space<vmem>>, vector<16xf32>,
      %parallel_loop3A_233 = arith.constant 32 : i32
      %parallel_loop3A_234 = arith.addi %parallel_loop3A_210, %parallel_loop3A_233 : i32
      %parallel_loop3A_235 = arith.index_cast %parallel_loop3A_234 : i32 to index
      %parallel_loop3A_236 = tpu.vector_load %arg6[%parallel_loop3A_235] {strides = array<i32>} : memref<1024xf32, #tpu.memory_space<vmem>>, vector<16xf32>,
      %parallel_loop3A_237 = arith.constant 32 : i32
      %parallel_loop3A_238 = arith.addi %parallel_loop3A_216, %parallel_loop3A_237 : i32
      %parallel_loop3A_239 = arith.index_cast %parallel_loop3A_238 : i32 to index
      %parallel_loop3A_240 = tpu.vector_load %arg7[%parallel_loop3A_239] {strides = array<i32>} : memref<32768xf32, #tpu.memory_space<vmem>>, vector<16xf32>,
      tpu.vector_store %arg7[%parallel_loop3A_239], %parallel_loop3A_236 {strides = array<i32>} : memref<32768xf32, #tpu.memory_space<vmem>>, vector<16xf32>,
      %parallel_loop3A_241 = arith.constant 48 : i32
      %parallel_loop3A_242 = arith.addi %parallel_loop3A_210, %parallel_loop3A_241 : i32
      %parallel_loop3A_243 = arith.index_cast %parallel_loop3A_242 : i32 to index
      %parallel_loop3A_244 = tpu.vector_load %arg6[%parallel_loop3A_243] {strides = array<i32>} : memref<1024xf32, #tpu.memory_space<vmem>>, vector<16xf32>,
      %parallel_loop3A_245 = arith.constant 48 : i32
      %parallel_loop3A_246 = arith.addi %parallel_loop3A_216, %parallel_loop3A_245 : i32
      %parallel_loop3A_247 = arith.index_cast %parallel_loop3A_246 : i32 to index
      %parallel_loop3A_248 = tpu.vector_load %arg7[%parallel_loop3A_247] {strides = array<i32>} : memref<32768xf32, #tpu.memory_space<vmem>>, vector<16xf32>,
      tpu.vector_store %arg7[%parallel_loop3A_247], %parallel_loop3A_244 {strides = array<i32>} : memref<32768xf32, #tpu.memory_space<vmem>>, vector<16xf32>,
      %parallel_loop3A_249 = vector.extract_strided_slice %parallel_loop3A_38 {offsets = [10], sizes = [1], strides = [1]} : vector<16xi32> to vector<1xi32>
      %parallel_loop3A_250 = vector.extract %parallel_loop3A_249[0] : i32 from vector<1xi32>
      %parallel_loop3A_251 = arith.constant 64 : i32
      %parallel_loop3A_252 = arith.muli %parallel_loop3A_250, %parallel_loop3A_251 : i32
      %parallel_loop3A_253 = arith.constant 8 : i32
      %parallel_loop3A_254 = arith.muli %parallel_loop3A_253, %parallel_loop3A_34 : i32
      %parallel_loop3A_255 = arith.constant 5 : i32
      %parallel_loop3A_256 = arith.addi %parallel_loop3A_254, %parallel_loop3A_255 : i32
      %parallel_loop3A_257 = arith.constant 64 : i32
      %parallel_loop3A_258 = arith.muli %parallel_loop3A_256, %parallel_loop3A_257 : i32
      %parallel_loop3A_259 = arith.constant 0 : i32
      %parallel_loop3A_260 = arith.addi %parallel_loop3A_252, %parallel_loop3A_259 : i32
      %parallel_loop3A_261 = arith.index_cast %parallel_loop3A_260 : i32 to index
      %parallel_loop3A_262 = tpu.vector_load %arg6[%parallel_loop3A_261] {strides = array<i32>} : memref<1024xf32, #tpu.memory_space<vmem>>, vector<16xf32>,
      %parallel_loop3A_263 = arith.constant 0 : i32
      %parallel_loop3A_264 = arith.addi %parallel_loop3A_258, %parallel_loop3A_263 : i32
      %parallel_loop3A_265 = arith.index_cast %parallel_loop3A_264 : i32 to index
      %parallel_loop3A_266 = tpu.vector_load %arg7[%parallel_loop3A_265] {strides = array<i32>} : memref<32768xf32, #tpu.memory_space<vmem>>, vector<16xf32>,
      tpu.vector_store %arg7[%parallel_loop3A_265], %parallel_loop3A_262 {strides = array<i32>} : memref<32768xf32, #tpu.memory_space<vmem>>, vector<16xf32>,
      %parallel_loop3A_267 = arith.constant 16 : i32
      %parallel_loop3A_268 = arith.addi %parallel_loop3A_252, %parallel_loop3A_267 : i32
      %parallel_loop3A_269 = arith.index_cast %parallel_loop3A_268 : i32 to index
      %parallel_loop3A_270 = tpu.vector_load %arg6[%parallel_loop3A_269] {strides = array<i32>} : memref<1024xf32, #tpu.memory_space<vmem>>, vector<16xf32>,
      %parallel_loop3A_271 = arith.constant 16 : i32
      %parallel_loop3A_272 = arith.addi %parallel_loop3A_258, %parallel_loop3A_271 : i32
      %parallel_loop3A_273 = arith.index_cast %parallel_loop3A_272 : i32 to index
      %parallel_loop3A_274 = tpu.vector_load %arg7[%parallel_loop3A_273] {strides = array<i32>} : memref<32768xf32, #tpu.memory_space<vmem>>, vector<16xf32>,
      tpu.vector_store %arg7[%parallel_loop3A_273], %parallel_loop3A_270 {strides = array<i32>} : memref<32768xf32, #tpu.memory_space<vmem>>, vector<16xf32>,
      %parallel_loop3A_275 = arith.constant 32 : i32
      %parallel_loop3A_276 = arith.addi %parallel_loop3A_252, %parallel_loop3A_275 : i32
      %parallel_loop3A_277 = arith.index_cast %parallel_loop3A_276 : i32 to index
      %parallel_loop3A_278 = tpu.vector_load %arg6[%parallel_loop3A_277] {strides = array<i32>} : memref<1024xf32, #tpu.memory_space<vmem>>, vector<16xf32>,
      %parallel_loop3A_279 = arith.constant 32 : i32
      %parallel_loop3A_280 = arith.addi %parallel_loop3A_258, %parallel_loop3A_279 : i32
      %parallel_loop3A_281 = arith.index_cast %parallel_loop3A_280 : i32 to index
      %parallel_loop3A_282 = tpu.vector_load %arg7[%parallel_loop3A_281] {strides = array<i32>} : memref<32768xf32, #tpu.memory_space<vmem>>, vector<16xf32>,
      tpu.vector_store %arg7[%parallel_loop3A_281], %parallel_loop3A_278 {strides = array<i32>} : memref<32768xf32, #tpu.memory_space<vmem>>, vector<16xf32>,
      %parallel_loop3A_283 = arith.constant 48 : i32
      %parallel_loop3A_284 = arith.addi %parallel_loop3A_252, %parallel_loop3A_283 : i32
      %parallel_loop3A_285 = arith.index_cast %parallel_loop3A_284 : i32 to index
      %parallel_loop3A_286 = tpu.vector_load %arg6[%parallel_loop3A_285] {strides = array<i32>} : memref<1024xf32, #tpu.memory_space<vmem>>, vector<16xf32>,
      %parallel_loop3A_287 = arith.constant 48 : i32
      %parallel_loop3A_288 = arith.addi %parallel_loop3A_258, %parallel_loop3A_287 : i32
      %parallel_loop3A_289 = arith.index_cast %parallel_loop3A_288 : i32 to index
      %parallel_loop3A_290 = tpu.vector_load %arg7[%parallel_loop3A_289] {strides = array<i32>} : memref<32768xf32, #tpu.memory_space<vmem>>, vector<16xf32>,
      tpu.vector_store %arg7[%parallel_loop3A_289], %parallel_loop3A_286 {strides = array<i32>} : memref<32768xf32, #tpu.memory_space<vmem>>, vector<16xf32>,
      %parallel_loop3A_291 = vector.extract_strided_slice %parallel_loop3A_38 {offsets = [12], sizes = [1], strides = [1]} : vector<16xi32> to vector<1xi32>
      %parallel_loop3A_292 = vector.extract %parallel_loop3A_291[0] : i32 from vector<1xi32>
      %parallel_loop3A_293 = arith.constant 64 : i32
      %parallel_loop3A_294 = arith.muli %parallel_loop3A_292, %parallel_loop3A_293 : i32
      %parallel_loop3A_295 = arith.constant 8 : i32
      %parallel_loop3A_296 = arith.muli %parallel_loop3A_295, %parallel_loop3A_34 : i32
      %parallel_loop3A_297 = arith.constant 6 : i32
      %parallel_loop3A_298 = arith.addi %parallel_loop3A_296, %parallel_loop3A_297 : i32
      %parallel_loop3A_299 = arith.constant 64 : i32
      %parallel_loop3A_300 = arith.muli %parallel_loop3A_298, %parallel_loop3A_299 : i32
      %parallel_loop3A_301 = arith.constant 0 : i32
      %parallel_loop3A_302 = arith.addi %parallel_loop3A_294, %parallel_loop3A_301 : i32
      %parallel_loop3A_303 = arith.index_cast %parallel_loop3A_302 : i32 to index
      %parallel_loop3A_304 = tpu.vector_load %arg6[%parallel_loop3A_303] {strides = array<i32>} : memref<1024xf32, #tpu.memory_space<vmem>>, vector<16xf32>,
      %parallel_loop3A_305 = arith.constant 0 : i32
      %parallel_loop3A_306 = arith.addi %parallel_loop3A_300, %parallel_loop3A_305 : i32
      %parallel_loop3A_307 = arith.index_cast %parallel_loop3A_306 : i32 to index
      %parallel_loop3A_308 = tpu.vector_load %arg7[%parallel_loop3A_307] {strides = array<i32>} : memref<32768xf32, #tpu.memory_space<vmem>>, vector<16xf32>,
      tpu.vector_store %arg7[%parallel_loop3A_307], %parallel_loop3A_304 {strides = array<i32>} : memref<32768xf32, #tpu.memory_space<vmem>>, vector<16xf32>,
      %parallel_loop3A_309 = arith.constant 16 : i32
      %parallel_loop3A_310 = arith.addi %parallel_loop3A_294, %parallel_loop3A_309 : i32
      %parallel_loop3A_311 = arith.index_cast %parallel_loop3A_310 : i32 to index
      %parallel_loop3A_312 = tpu.vector_load %arg6[%parallel_loop3A_311] {strides = array<i32>} : memref<1024xf32, #tpu.memory_space<vmem>>, vector<16xf32>,
      %parallel_loop3A_313 = arith.constant 16 : i32
      %parallel_loop3A_314 = arith.addi %parallel_loop3A_300, %parallel_loop3A_313 : i32
      %parallel_loop3A_315 = arith.index_cast %parallel_loop3A_314 : i32 to index
      %parallel_loop3A_316 = tpu.vector_load %arg7[%parallel_loop3A_315] {strides = array<i32>} : memref<32768xf32, #tpu.memory_space<vmem>>, vector<16xf32>,
      tpu.vector_store %arg7[%parallel_loop3A_315], %parallel_loop3A_312 {strides = array<i32>} : memref<32768xf32, #tpu.memory_space<vmem>>, vector<16xf32>,
      %parallel_loop3A_317 = arith.constant 32 : i32
      %parallel_loop3A_318 = arith.addi %parallel_loop3A_294, %parallel_loop3A_317 : i32
      %parallel_loop3A_319 = arith.index_cast %parallel_loop3A_318 : i32 to index
      %parallel_loop3A_320 = tpu.vector_load %arg6[%parallel_loop3A_319] {strides = array<i32>} : memref<1024xf32, #tpu.memory_space<vmem>>, vector<16xf32>,
      %parallel_loop3A_321 = arith.constant 32 : i32
      %parallel_loop3A_322 = arith.addi %parallel_loop3A_300, %parallel_loop3A_321 : i32
      %parallel_loop3A_323 = arith.index_cast %parallel_loop3A_322 : i32 to index
      %parallel_loop3A_324 = tpu.vector_load %arg7[%parallel_loop3A_323] {strides = array<i32>} : memref<32768xf32, #tpu.memory_space<vmem>>, vector<16xf32>,
      tpu.vector_store %arg7[%parallel_loop3A_323], %parallel_loop3A_320 {strides = array<i32>} : memref<32768xf32, #tpu.memory_space<vmem>>, vector<16xf32>,
      %parallel_loop3A_325 = arith.constant 48 : i32
      %parallel_loop3A_326 = arith.addi %parallel_loop3A_294, %parallel_loop3A_325 : i32
      %parallel_loop3A_327 = arith.index_cast %parallel_loop3A_326 : i32 to index
      %parallel_loop3A_328 = tpu.vector_load %arg6[%parallel_loop3A_327] {strides = array<i32>} : memref<1024xf32, #tpu.memory_space<vmem>>, vector<16xf32>,
      %parallel_loop3A_329 = arith.constant 48 : i32
      %parallel_loop3A_330 = arith.addi %parallel_loop3A_300, %parallel_loop3A_329 : i32
      %parallel_loop3A_331 = arith.index_cast %parallel_loop3A_330 : i32 to index
      %parallel_loop3A_332 = tpu.vector_load %arg7[%parallel_loop3A_331] {strides = array<i32>} : memref<32768xf32, #tpu.memory_space<vmem>>, vector<16xf32>,
      tpu.vector_store %arg7[%parallel_loop3A_331], %parallel_loop3A_328 {strides = array<i32>} : memref<32768xf32, #tpu.memory_space<vmem>>, vector<16xf32>,
      %parallel_loop3A_333 = vector.extract_strided_slice %parallel_loop3A_38 {offsets = [14], sizes = [1], strides = [1]} : vector<16xi32> to vector<1xi32>
      %parallel_loop3A_334 = vector.extract %parallel_loop3A_333[0] : i32 from vector<1xi32>
      %parallel_loop3A_335 = arith.constant 64 : i32
      %parallel_loop3A_336 = arith.muli %parallel_loop3A_334, %parallel_loop3A_335 : i32
      %parallel_loop3A_337 = arith.constant 8 : i32
      %parallel_loop3A_338 = arith.muli %parallel_loop3A_337, %parallel_loop3A_34 : i32
      %parallel_loop3A_339 = arith.constant 7 : i32
      %parallel_loop3A_340 = arith.addi %parallel_loop3A_338, %parallel_loop3A_339 : i32
      %parallel_loop3A_341 = arith.constant 64 : i32
      %parallel_loop3A_342 = arith.muli %parallel_loop3A_340, %parallel_loop3A_341 : i32
      %parallel_loop3A_343 = arith.constant 0 : i32
      %parallel_loop3A_344 = arith.addi %parallel_loop3A_336, %parallel_loop3A_343 : i32
      %parallel_loop3A_345 = arith.index_cast %parallel_loop3A_344 : i32 to index
      %parallel_loop3A_346 = tpu.vector_load %arg6[%parallel_loop3A_345] {strides = array<i32>} : memref<1024xf32, #tpu.memory_space<vmem>>, vector<16xf32>,
      %parallel_loop3A_347 = arith.constant 0 : i32
      %parallel_loop3A_348 = arith.addi %parallel_loop3A_342, %parallel_loop3A_347 : i32
      %parallel_loop3A_349 = arith.index_cast %parallel_loop3A_348 : i32 to index
      %parallel_loop3A_350 = tpu.vector_load %arg7[%parallel_loop3A_349] {strides = array<i32>} : memref<32768xf32, #tpu.memory_space<vmem>>, vector<16xf32>,
      tpu.vector_store %arg7[%parallel_loop3A_349], %parallel_loop3A_346 {strides = array<i32>} : memref<32768xf32, #tpu.memory_space<vmem>>, vector<16xf32>,
      %parallel_loop3A_351 = arith.constant 16 : i32
      %parallel_loop3A_352 = arith.addi %parallel_loop3A_336, %parallel_loop3A_351 : i32
      %parallel_loop3A_353 = arith.index_cast %parallel_loop3A_352 : i32 to index
      %parallel_loop3A_354 = tpu.vector_load %arg6[%parallel_loop3A_353] {strides = array<i32>} : memref<1024xf32, #tpu.memory_space<vmem>>, vector<16xf32>,
      %parallel_loop3A_355 = arith.constant 16 : i32
      %parallel_loop3A_356 = arith.addi %parallel_loop3A_342, %parallel_loop3A_355 : i32
      %parallel_loop3A_357 = arith.index_cast %parallel_loop3A_356 : i32 to index
      %parallel_loop3A_358 = tpu.vector_load %arg7[%parallel_loop3A_357] {strides = array<i32>} : memref<32768xf32, #tpu.memory_space<vmem>>, vector<16xf32>,
      tpu.vector_store %arg7[%parallel_loop3A_357], %parallel_loop3A_354 {strides = array<i32>} : memref<32768xf32, #tpu.memory_space<vmem>>, vector<16xf32>,
      %parallel_loop3A_359 = arith.constant 32 : i32
      %parallel_loop3A_360 = arith.addi %parallel_loop3A_336, %parallel_loop3A_359 : i32
      %parallel_loop3A_361 = arith.index_cast %parallel_loop3A_360 : i32 to index
      %parallel_loop3A_362 = tpu.vector_load %arg6[%parallel_loop3A_361] {strides = array<i32>} : memref<1024xf32, #tpu.memory_space<vmem>>, vector<16xf32>,
      %parallel_loop3A_363 = arith.constant 32 : i32
      %parallel_loop3A_364 = arith.addi %parallel_loop3A_342, %parallel_loop3A_363 : i32
      %parallel_loop3A_365 = arith.index_cast %parallel_loop3A_364 : i32 to index
      %parallel_loop3A_366 = tpu.vector_load %arg7[%parallel_loop3A_365] {strides = array<i32>} : memref<32768xf32, #tpu.memory_space<vmem>>, vector<16xf32>,
      tpu.vector_store %arg7[%parallel_loop3A_365], %parallel_loop3A_362 {strides = array<i32>} : memref<32768xf32, #tpu.memory_space<vmem>>, vector<16xf32>,
      %parallel_loop3A_367 = arith.constant 48 : i32
      %parallel_loop3A_368 = arith.addi %parallel_loop3A_336, %parallel_loop3A_367 : i32
      %parallel_loop3A_369 = arith.index_cast %parallel_loop3A_368 : i32 to index
      %parallel_loop3A_370 = tpu.vector_load %arg6[%parallel_loop3A_369] {strides = array<i32>} : memref<1024xf32, #tpu.memory_space<vmem>>, vector<16xf32>,
      %parallel_loop3A_371 = arith.constant 48 : i32
      %parallel_loop3A_372 = arith.addi %parallel_loop3A_342, %parallel_loop3A_371 : i32
      %parallel_loop3A_373 = arith.index_cast %parallel_loop3A_372 : i32 to index
      %parallel_loop3A_374 = tpu.vector_load %arg7[%parallel_loop3A_373] {strides = array<i32>} : memref<32768xf32, #tpu.memory_space<vmem>>, vector<16xf32>,
      tpu.vector_store %arg7[%parallel_loop3A_373], %parallel_loop3A_370 {strides = array<i32>} : memref<32768xf32, #tpu.memory_space<vmem>>, vector<16xf32>,
    } {sc.loop_unroll_factor = 2 : i64, sc.parallel_access}
    %parallel_loop3A_15 = arith.constant 0 : i32
    %parallel_loop3A_16 = arith.constant 32 : i32
    %parallel_loop3A_17 = arith.constant 1 : i32
    scf.for %parallel_loop3A_34 = %parallel_loop3A_15 to %parallel_loop3A_16 step %parallel_loop3A_17  : i32 {
      %parallel_loop3A_35 = arith.constant 32 : i32
      %parallel_loop3A_36 = arith.muli %parallel_loop3A_35, %parallel_loop3A_34 : i32
      %parallel_loop3A_37 = arith.constant 1 : i32
      %parallel_loop3A_38 = arith.addi %parallel_loop3A_36, %parallel_loop3A_37 : i32
      %parallel_loop3A_39 = vector.broadcast %parallel_loop3A_38 : i32 to vector<16xi32>
      %parallel_loop3A_40 = arith.addi %mul3A_9, %parallel_loop3A_39 : vector<16xi32>
      %parallel_loop3A_41 = tpu.vector_load_idx %arg5[%parallel_loop3A_40] : memref<1024xi32, #tpu.memory_space<vmem>>[vector<16xi32>], vector<16xi32>,
      %parallel_loop3A_42 = arith.sitofp %parallel_loop3A_41 : vector<16xi32> to vector<16xf32>
      %parallel_loop3A_43 = arith.constant 1.000000e-03 : f32
      %parallel_loop3A_44 = vector.broadcast %parallel_loop3A_43 : f32 to vector<16xf32>
      %parallel_loop3A_45 = arith.mulf %parallel_loop3A_42, %parallel_loop3A_44 : vector<16xf32>
      %parallel_loop3A_46 = arith.constant 16 : i32
      %parallel_loop3A_47 = arith.muli %parallel_loop3A_34, %parallel_loop3A_46 : i32
      %parallel_loop3A_48 = arith.constant 64 : i32
      %parallel_loop3A_49 = arith.muli %parallel_loop3A_47, %parallel_loop3A_48 : i32
      %parallel_loop3A_50 = arith.constant 64 : i32
      %parallel_loop3A_51 = arith.addi %parallel_loop3A_49, %parallel_loop3A_50 : i32
      %parallel_loop3A_52 = arith.constant 1 : i32
      %parallel_loop3A_53 = arith.subi %parallel_loop3A_51, %parallel_loop3A_52 : i32
      %parallel_loop3A_54 = vector.broadcast %parallel_loop3A_53 : i32 to vector<16xi32>
      %parallel_loop3A_55 = arith.addi %mul3A_12, %parallel_loop3A_54 : vector<16xi32>
      tpu.vector_store_idx %arg7[%parallel_loop3A_55], %parallel_loop3A_45 : memref<32768xf32, #tpu.memory_space<vmem>>[vector<16xi32>], vector<16xf32>,
    } {sc.loop_unroll_factor = 2 : i64, sc.parallel_access}
    %mul3A_18 = arith.constant 64 : i32
    %mul3A_19 = arith.muli %mul3A_2, %mul3A_18 : i32
    %add3A_20 = arith.constant 0 : i32
    %add3A_21 = arith.addi %mul3A_19, %add3A_20 : i32
    %dma_start3A_22 = arith.constant 0 : i32
    %dma_start3A_23 = tpu.memref_slice %arg7[%dma_start3A_22] : memref<32768xf32, #tpu.memory_space<vmem>> -> memref<32768xf32, #tpu.memory_space<vmem>>
    %dma_start3A_24 = tpu.memref_slice %arg4[%add3A_21] : memref<1048576xf32, #tpu.memory_space<hbm>> -> memref<32768xf32, #tpu.memory_space<hbm>>
    %dma_start3A_25 = tpu.memref_slice %arg4[%add3A_21] : memref<1048576xf32, #tpu.memory_space<hbm>> -> memref<32768xf32, #tpu.memory_space<hbm>>
    %dma_start3A_26 = arith.constant 0 : i32
    %dma_start3A_27 = tpu.memref_slice %arg7[%dma_start3A_26] : memref<32768xf32, #tpu.memory_space<vmem>> -> memref<32768xf32, #tpu.memory_space<vmem>>
    tpu.enqueue_dma source(%dma_start3A_27 : memref<32768xf32, #tpu.memory_space<vmem>>) target(%dma_start3A_25 : memref<32768xf32, #tpu.memory_space<hbm>>) target_semaphore(%arg8 : memref<!tpu.dma_semaphore, #tpu.memory_space<semaphore_mem>>)
    %dma_wait3A_28 = arith.constant 0 : i32
    %dma_wait3A_29 = tpu.memref_slice %arg7[%dma_wait3A_28] : memref<32768xf32, #tpu.memory_space<vmem>> -> memref<32768xf32, #tpu.memory_space<vmem>>
    %dma_wait3A_30 = tpu.memref_slice %arg4[%add3A_21] : memref<1048576xf32, #tpu.memory_space<hbm>> -> memref<32768xf32, #tpu.memory_space<hbm>>
    %dma_wait3A_31 = tpu.memref_slice %arg4[%add3A_21] : memref<1048576xf32, #tpu.memory_space<hbm>> -> memref<32768xf32, #tpu.memory_space<hbm>>
    %dma_wait3A_32 = arith.constant 0 : i32
    %dma_wait3A_33 = tpu.memref_slice %arg7[%dma_wait3A_32] : memref<32768xf32, #tpu.memory_space<vmem>> -> memref<32768xf32, #tpu.memory_space<vmem>>
    tpu.wait_dma2 semaphore(%arg8 : memref<!tpu.dma_semaphore, #tpu.memory_space<semaphore_mem>>) src(%dma_wait3A_33 : memref<32768xf32, #tpu.memory_space<vmem>>) dst(%dma_wait3A_31 : memref<32768xf32, #tpu.memory_space<hbm>>)
    return
  }
}

</mosaic_0001>

<sc_bundles>
// kernel: kernel.3.cloned.1.call-start
scs
__scs_entry_jumppad:
0x0: {  	(pc) =	sbr.rel $0x88, $3  }
0x1: {  	(tag) =	ssettag $0x0;
	lr =	simm.s32 $0x1  }
0x2: {  	[smem:$0x3F9F] =	sst lr;
	_ =	strace $0xD0000000  }
0x3: {  	_ = 	snop  }
0x4: {  	_ = 	snop  }
0x5: {  	_ = 	snop  }
0x6: {  	_ = 	snop  }
0x7: {  	_ = 	snop  }
__scs_overlays_trampoline_lowered:
0x8: {  	[smem:$0x3FAE] =	sst s0  }
0x9: {  	[smem:$0x3FAF] =	sst s1  }
0xa: {  	[smem:$0x3FB0] =	sst s2  }
0xb: {  	[smem:$0x3FB1] =	sst s3  }
0xc: {  	[smem:$0x3FB2] =	sst s4  }
0xd: {  	[smem:$0x3FB3] =	sst s5  }
0xe: {  	[smem:$0x3FB4] =	sst s6  }
0xf: {  	[smem:$0x3FB5] =	sst s7  }
0x10: {  	[smem:$0x3FB6] =	sst s8  }
0x11: {  	[smem:$0x3FB7] =	sst s9;
	s0 =	simm.s32 @!p0 $0x0  }
0x12: {  	s1 =	sld [smem:$0x3F9D];
	s0 =	simm.s32 @p0 $0x1  }
0x13: {  	[smem:$0x3FB8] =	sst s0;
	s0 =	simm.s32 @!p1 $0x0  }
0x14: {  	s2 =	sld [smem:$0x3F9C];
	s0 =	simm.s32 @p1 $0x1  }
0x15: {  	[smem:$0x3FB9] =	sst s0;
	s0 =	simm.s32 @!p2 $0x0  }
0x16: {  	s3 =	sld [smem:$0x3FDB];
	s0 =	simm.s32 @p2 $0x1  }
0x17: {  	s4 =	simm.s32 $0x1BF5;
	[smem:$0x3FBB] =	sst s0  }
0x18: {  	s0 =	sld [smem:$0x3F9E];
	_ =	swait.ge [sflag:s4], $0x0  }
0x19: {  	s7 =	sld [smem:$0x3F9F]  }
0x1a: {  	s8 =	sadd.s32 $0xFFFFE003, lr  }
0x1b: {  	s9 =	sadd.s32 $0xFFFFFEF7, lr;
	s5 =	simm.s32 $0xFFFFFFFF;
	p2 =	slt.u32 s8, $0xFFFFF086  }
0x1c: {  	p1 =	slt.u32 s9, $0xF7A;
	s5 =	simm.s32 @!p2 $0x0  }
0x1d: {  	s5 =	simm.s32 @p1 $0x1;
	p0 =	seq.s32 s7, s2  }
0x1e: {  	s7 =	smul.u32 @!p0 $0xF7A, s2;
	p2 =	seq.s32 @!p0 s5, $0x0  }
0x1f: {  	s9 =	smul.u32 $0xF7A, s1;
	s8 =	simm.s32 @!p0 $0x1BF5;
	p2 =	por !p2, p0  }
0x20: {  	[sflag:s8] =	ssyncset.s32 @!p0 $0xFFFFF086;
	s6 =	sadd.s32 @!p0 s3, s7;
	s7 =	simm.s32 @!p0 $0x108  }
0x21: {  	s3 =	sadd.s32 s3, s9;
	s6 =	sadd.s32 @!p0 $0x88, s6;
	s7 =	simm.s32 @p2 $0x1082  }
0x22: {  	[simem:s7], [sflag:s8] =	dma.local @!p0 [hbm:s6], $0xF7A  }
0x23: {  	s9 =	sor.u32 $0xD0000000, s2;
	s6 =	simm.s32 $0x108;
	_ =	swait.ge @!p0 [sflag:s8], $0x0  }
0x24: {  	s3 =	sadd.s32 $0x88, s3;
	s6 =	simm.s32 @!p1 $0x1082;
	[sflag:s4] =	ssyncset.s32 $0xFFFFF086  }
0x25: {  	[simem:s6], [sflag:s4] =	dma.local [hbm:s3], $0xF7A  }
0x26: {  	[smem:$0x3F9F] =	sst s1;
	(tag) =	ssettag s2;
	_ =	strace s9  }
0x27: {  	s1 =	sld [smem:$0x3FAF]  }
0x28: {  	s2 =	sld [smem:$0x3FB0]  }
0x29: {  	s4 =	sld [smem:$0x3FB2]  }
0x2a: {  	p0 =	seq.s32 s5, $0x0;
	s5 =	sld [smem:$0x3FB3]  }
0x2b: {  	s6 =	sld [smem:$0x3FB4]  }
0x2c: {  	s7 =	sld [smem:$0x3FB5]  }
0x2d: {  	s3 =	simm.s32 $0x108;
	s8 =	sld [smem:$0x3FB6]  }
0x2e: {  	s3 =	simm.s32 @!p0 $0x1082;
	s9 =	sld [smem:$0x3FB7]  }
0x2f: {  	lr =	sadd.s32 s0, s3;
	s0 =	sld [smem:$0x3FAE]  }
0x30: {  	s3 =	sld [smem:$0x3FB1]  }
0x31: {  	[smem:$0x3FBA] =	sst s10  }
0x32: {  	s10 =	sld [smem:$0x3FB8];
	_ =	sdelay $0x3  }
0x33: {  	p0 =	seq.s32 s10, $0x1;
	s10 =	sld [smem:$0x3FBA];
	_ =	sdelay $0x3  }
0x34: {  	[smem:$0x3FBA] =	sst s10  }
0x35: {  	s10 =	sld [smem:$0x3FB9];
	_ =	sdelay $0x3  }
0x36: {  	p1 =	seq.s32 s10, $0x1;
	s10 =	sld [smem:$0x3FBA];
	_ =	sdelay $0x3  }
0x37: {  	[smem:$0x3FBA] =	sst s10  }
0x38: {  	s10 =	sld [smem:$0x3FBB]  }
0x39: {  	_ = 	snop;
	(pc) =	sbr.ind lr, $3  }
0x3a: {  	_ = 	snop  }
0x3b: {  	_ = 	snop  }
0x3c: {  	p2 =	seq.s32 s10, $0x1;
	s10 =	sld [smem:$0x3FBA]  }
0x3d: {  	_ =	shalt  }
0x3e: {  	_ =	shalt  }
0x3f: {  	_ =	shalt  }
0x40: {  	_ =	shalt  }
0x41: {  	_ =	shalt  }
0x42: {  	_ =	shalt  }
0x43: {  	_ =	shalt  }
0x44: {  	_ =	shalt  }
0x45: {  	_ =	shalt  }
0x46: {  	_ =	shalt  }
0x47: {  	_ =	shalt  }
0x48: {  	_ =	shalt  }
0x49: {  	_ =	shalt  }
0x4a: {  	_ =	shalt  }
0x4b: {  	_ =	shalt  }
0x4c: {  	_ =	shalt  }
0x4d: {  	_ =	shalt  }
0x4e: {  	_ =	shalt  }
0x4f: {  	_ =	shalt  }
0x50: {  	_ =	shalt  }
0x51: {  	_ =	shalt  }
0x52: {  	_ =	shalt  }
0x53: {  	_ =	shalt  }
0x54: {  	_ =	shalt  }
0x55: {  	_ =	shalt  }
0x56: {  	_ =	shalt  }
0x57: {  	_ =	shalt  }
0x58: {  	_ =	shalt  }
0x59: {  	_ =	shalt  }
0x5a: {  	_ =	shalt  }
0x5b: {  	_ =	shalt  }
0x5c: {  	_ =	shalt  }
0x5d: {  	_ =	shalt  }
0x5e: {  	_ =	shalt  }
0x5f: {  	_ =	shalt  }
0x60: {  	_ =	shalt  }
0x61: {  	_ =	shalt  }
0x62: {  	_ =	shalt  }
0x63: {  	_ =	shalt  }
0x64: {  	_ =	shalt  }
0x65: {  	_ =	shalt  }
0x66: {  	_ =	shalt  }
0x67: {  	_ =	shalt  }
0x68: {  	_ =	shalt  }
0x69: {  	_ =	shalt  }
0x6a: {  	_ =	shalt  }
0x6b: {  	_ =	shalt  }
0x6c: {  	_ =	shalt  }
0x6d: {  	_ =	shalt  }
0x6e: {  	_ =	shalt  }
0x6f: {  	_ =	shalt  }
0x70: {  	_ =	shalt  }
0x71: {  	_ =	shalt  }
0x72: {  	_ =	shalt  }
0x73: {  	_ =	shalt  }
0x74: {  	_ =	shalt  }
0x75: {  	_ =	shalt  }
0x76: {  	_ =	shalt  }
0x77: {  	_ =	shalt  }
0x78: {  	_ =	shalt  }
0x79: {  	_ =	shalt  }
0x7a: {  	_ =	shalt  }
0x7b: {  	_ =	shalt  }
0x7c: {  	_ =	shalt  }
0x7d: {  	_ =	shalt  }
0x7e: {  	_ =	shalt  }
0x7f: {  	_ =	shalt  }
0x80: {  	_ =	shalt  }
0x81: {  	_ =	shalt  }
0x82: {  	_ =	shalt  }
0x83: {  	_ =	shalt  }
0x84: {  	_ =	shalt  }
0x85: {  	_ =	shalt  }
0x86: {  	_ =	shalt  }
0x87: {  	_ =	shalt  }
.Lfunc_end0:
.L_simem_size_0:
called_computation_lowered:
.L_overlay_start_0:
0x88: {  	s2 =	sld [smem:$0x3FD9]  }
0x89: {  	s3 =	sld [smem:$0x3FFE];
	_ =	sdelay $0x1  }
0x8a: {  	s1 =	srdreg.scid  }
0x8b: {  	s0 =	sand.u32 $0x1, s1  }
0x8c: {  	s17 =	sshll.u32 s0, $0xA;
	s2 =	sadd.s32 s3, s2  }
0x8d: {  	s2 =	sadd.s32 s2, s17  }
0x8e: {  	[smem:$0x3FC6] =	sst s2  }
0x8f: {  	_ = 	snop  }
0x90: {  	s2 =	sld [smem:$0x3FD0];
	(tm) =	ssettm $0x1  }
0x91: {  	s18 =	sld [smem:$0x3FFB];
	_ =	sdelay $0x3  }
0x92: {  	_ =	strace s18  }
0x93: {  	s3 =	sld [smem:$0x3FFC];
	_ =	sdelay $0x3  }
0x94: {  	_ =	strace s3  }
0x95: {  	s3 =	sld [smem:$0x3FFD];
	_ =	sdelay $0x3  }
0x96: {  	_ =	strace s3  }
0x97: {  	_ =	strace $0x8FFFFFFF  }
0x98: {  	s19 =	sld [smem:$0x3FDB];
	_ =	sdelay $0x1  }
0x99: {  	s4 =	simm.s32 $_scs_section_size  }
0x9a: {  	s5 =	simm.s32 $_size__tile_overlayer_lowered;
	s6 =	simm.s32 $_tile_overlayer_lowered  }
0x9b: {  	s22 =	simm.s32 $0x1BFF;
	s21 =	sshll.u32 s6, $0x1;
	s3 =	sadd.s32 s4, s19  }
0x9c: {  	s7 =	simm.s32 $0x0;
	s20 =	sshll.u32 s5, $0x1;
	s5 =	sadd.s32 s21, s3  }
0x9d: {  	[timem:s7], [sflag:s22] =	dma.local [hbm:s5], s20  }
0x9e: {  	_ =	swait.ge [sflag:s22], s20  }
0x9f: {  	s4 =	ssub.s32 $0x0, s20;
	[sflag:s22] =	ssyncset.done $0x0  }
0xa0: {  	[sflag:s22] =	ssyncadd.s32 s4;
	_ =	sdelay $0x1  }
0xa1: {  	s23 =	simm.s32 $0x1B8B  }
0xa2: {  	_ =	swait.ge [sflag:s23], $0x1  }
0xa3: {  	[sflag:s23] =	ssyncset.done $0x0  }
0xa4: {  	s25 =	simm.s32 $0x1B8E;
	s24 =	sld [smem:$0x3FFE];
	[sflag:s23] =	ssyncadd.s32 $0xFFFFFFFF  }
0xa5: {  	s26 =	simm.s32 $execute0_lowered;
	[smem:$0x3FD2] =	sst s25  }
0xa6: {  	s5 =	sshll.u32 s26, $0x1;
	_ =	strace $0x80000046;
	[dreg:$0x1] =	wrdreg $0xFFFFFFFF  }
0xa7: {  	s28 =	simm.s32 $_size_execute0_lowered;
	s3 =	sadd.s32 s3, s5;
	[dreg:$0x0] =	wrdreg $0x0  }
0xa8: {  	s5 =	sshll.u32 s28, $0x1;
	[dreg:$0x2] =	wrdreg s3  }
0xa9: {  	[dreg:$0x3] =	wrdreg s5  }
0xaa: {  	[dreg:$0x4] =	wrdreg $0xC0  }
0xab: {  	_ =	task [dreg:s7], $0x5FFFF  }
0xac: {  	[dreg:$0x1] =	wrdreg $0xFFFFFFFF  }
0xad: {  	[dreg:$0x0] =	wrdreg $0x60  }
0xae: {  	[dreg:$0x2] =	wrdreg s24  }
0xaf: {  	[dreg:$0x3] =	wrdreg s2  }
0xb0: {  	[dreg:$0x4] =	wrdreg $0x9  }
0xb1: {  	_ =	task.clear_ibuf [dreg:s7], $0x5FFFF;
	_ =	strace $0x90000046  }
0xb2: {  	s29 =	simm.s32 $0x9;
	_ =	strace $0x80000048  }
0xb3: {  	_ =	swait.ge [sflag:s29], $0x1  }
0xb4: {  	[sflag:s29] =	ssyncadd.s32 $0xFFFFFFFF  }
0xb5: {  	_ =	strace $0x90000048  }
0xb6: {  	_ =	sfence  }
0xb7: {  	s30 =	sld [smem:$0x0];
	_ =	sdelay $0x2  }
0xb8: {  	s31 =	sshll.u32 s1, $0xD;
	s1 =	sshrl.u32 s1, $0x2  }
0xb9: {  	s3 =	sand.u32 $0x4000, s31;
	s1 =	sadd.s32 s1, s30  }
0xba: {  	s0 =	sor.u32 s3, s0;
	s1 =	sshll.u32 s1, $0x11  }
0xbb: {  	s0 =	sor.u32 s1, s0  }
0xbc: {  	s0 =	sadd.s32 $0x8F2B, s0  }
0xbd: {  	[sflag:s0] =	ssyncadd.remote.s32 $0x1  }
0xbe: {  	_ =	sfence.sel $0xFFFF  }
0xbf: {  	[dreg:$0x0] =	wrdreg $0xFFFFFFFF;
	(pc) =	sbr.abs _section_cstart, $3  }
0xc0: {  	[dreg:$0x1] =	wrdreg $0xFFFFFFFF  }
0xc1: {  	_ =	task.clear_ibuf [dreg:s7], $0x2FFFF;
	_ =	strace $0x9FFFFFFF  }
0xc2: {  	(tm) =	ssettm $0x7FFFFFFF  }
0xc3: {  	_ =	shalt  }
tec
execute0_lowered:
.L_overlay_start_1:
0x0: {  	(tag) =	ssettag $0x1  }
0x1: {  	s0 =	rddreg [dreg:$0x0]  }
0x2: {  	s1 =	rddreg [dreg:$0x1]  }
0x3: {  	s3 =	srdreg.scid;
	s4 =	stileid.u32  }
0x4: {  	s2 =	simm.s32 $0x0;
	s3 =	sand.u32 $0x1, s3;
	s4 =	sshll.u32 s4, $0x1  }
0x5: {  	[smem:$0x7FF] =	sst s2;
	s4 =	sor.u32 s3, s4  }
0x6: {  	_ =	strace $0x80000047;
	s3 =	ssub.s32 $0x2, s3;
	s5 =	sshll.u32 s4, $0x7  }
0x7: {  	s31 =	sshll.u32 s4, $0xC;
	s5 =	sadd.s32 s5, s0;
	s0 =	sadd.s32 $0x400, s0  }
0x8: {  	v1 =	vlaneseq.u32;
	s29 =	sshrl.u32 s3, $0x1;
	s1 =	sadd.s32 s1, s31;
	[dreg:$0x3] =	wrdreg s0  }
0x9: {  	v0 =	vmul.u32 $0x40, v1;
	s0 =	ssub.s32 s3, s29;
	s30 =	sadd.s32 $0x600, s5;
	[dreg:$0x5] =	wrdreg s1  }
0xa: {  	s8 =	simm.s32 $0x1;
	[dreg:$0x4] =	wrdreg s30;
	s0 =	smax.u32 s0, $0x1  }
0xb: {  	s9 =	simm.s32 $0x800;
	s10 =	simm.s32 $0x0;
	v1 =	vmul.u32 $0x2, v1;
	v2 =	vor.u32 $0x7, v0;
	[dreg:$0x6] =	wrdreg s0  }
.LBB2_1:
0xc: {  	s0 =	rddreg [dreg:$0x4]  }
0xd: {  	[tilespmem:s2], [sflag:$0x1] =	stream.linear.gather [hbm4b:s0+s2], $0x400, $0x38;
	[tilespmem:$0x8800] =	vst v63  }
0xe: {  	s22 =	rddreg [dreg:$0x3];
	s1 =	simm.s32 $0x400  }
0xf: {  	[tilespmem:s1], [sflag:$0x1] =	stream.linear.gather [hbm4b:s22+s2], $0x400, $0x38;
	[tilespmem:$0x8800] =	vst v63  }
0x10: {  	_ =	swait.ge [sflag:s8], $0x400  }
0x11: {  	[sflag:s8] =	ssyncset.done $0x0  }
0x12: {  	[sflag:s8] =	ssyncadd.s32 $0xFFFFFC00  }
0x13: {  	_ =	swait.ge [sflag:s8], $0x400  }
0x14: {  	[sflag:s8] =	ssyncset.done $0x0  }
0x15: {  	s23 =	simm.s32 $0x10;
	[sflag:s8] =	ssyncadd.s32 $0xFFFFFC00  }
0x16: {  	v3 =	vld [tilespmem:s23+$0x0];
	_ =	sdelay $0x2  }
0x17: {  	v5 =	vld [tilespmem:s23+$0xFFFFFFF0];
	_ =	sdelay $0x1  }
0x18: {  	v3 =	vshll.u32 v3, $0x8  }
0x19: {  	v4 =	vshra.s32 v3, $0x2  }
0x1a: {  	(v2sf) =	vpush v4, $0x0  }
0x1b: {  	v3 =	vshll.u32 v5, $0x8  }
0x1c: {  	v3 =	vshra.s32 v3, $0x2  }
0x1d: {  	(v2sf) =	vpush v3, $0x0;
	_ =	sdelay $0xb  }
0x1e: {  	s24 =	spop (v2sf)  }
0x1f: {  	v5 =	vld [tilespmem:s24+$0x400]  }
0x20: {  	(v2sf) =	vpush v3, $0x2  }
0x21: {  	(v2sf) =	vpush v3, $0x4;
	s3 =	spop (v2sf)  }
0x22: {  	(v2sf) =	vpush v3, $0x6;
	v6 =	vld [tilespmem:s3+$0x400]  }
0x23: {  	s11 =	simm.s32 $0xA00;
	(v2sf) =	vpush v3, $0x8  }
0x24: {  	(v2sf) =	vpush v3, $0xA;
	[tilespmem:s11+$0x0] =	vst v5  }
0x25: {  	(v2sf) =	vpush v3, $0xC;
	v5 =	vld [tilespmem:s24+$0x410]  }
0x26: {  	(v2sf) =	vpush v3, $0xE  }
0x27: {  	(v2sf) =	vpush v4, $0x2;
	[tilespmem:s11+$0xFFFFFE00] =	vst v6  }
0x28: {  	v3 =	vld [tilespmem:s3+$0x410];
	_ =	sdelay $0x1  }
0x29: {  	[tilespmem:s11+$0x10] =	vst v5  }
0x2a: {  	v5 =	vld [tilespmem:s24+$0x420];
	_ =	sdelay $0x1  }
0x2b: {  	[tilespmem:s11+$0xFFFFFE10] =	vst v3  }
0x2c: {  	v3 =	vld [tilespmem:s3+$0x420]  }
0x2d: {  	s4 =	spop (v2sf)  }
0x2e: {  	s25 =	spop (v2sf);
	[tilespmem:s11+$0x20] =	vst v5  }
0x2f: {  	s7 =	spop (v2sf);
	v5 =	vld [tilespmem:s24+$0x430]  }
0x30: {  	s1 =	spop (v2sf)  }
0x31: {  	s16 =	spop (v2sf);
	[tilespmem:s11+$0xFFFFFE20] =	vst v3  }
0x32: {  	s20 =	spop (v2sf);
	v3 =	vld [tilespmem:s3+$0x430]  }
0x33: {  	s12 =	spop (v2sf)  }
0x34: {  	s26 =	spop (v2sf);
	[tilespmem:s11+$0x30] =	vst v5  }
0x35: {  	v5 =	vld [tilespmem:s26+$0x400];
	_ =	sdelay $0x1  }
0x36: {  	[tilespmem:s11+$0xFFFFFE30] =	vst v3  }
0x37: {  	v3 =	vld [tilespmem:s4+$0x400];
	_ =	sdelay $0x1  }
0x38: {  	[tilespmem:s11+$0x40] =	vst v5  }
0x39: {  	v5 =	vld [tilespmem:s26+$0x410];
	_ =	sdelay $0x1  }
0x3a: {  	(v2sf) =	vpush v4, $0x4;
	[tilespmem:s11+$0xFFFFFE40] =	vst v3  }
0x3b: {  	v3 =	vld [tilespmem:s4+$0x410];
	_ =	sdelay $0x1  }
0x3c: {  	[tilespmem:s11+$0x50] =	vst v5  }
0x3d: {  	v5 =	vld [tilespmem:s26+$0x420];
	_ =	sdelay $0x1  }
0x3e: {  	[tilespmem:s11+$0xFFFFFE50] =	vst v3  }
0x3f: {  	v3 =	vld [tilespmem:s4+$0x420]  }
0x40: {  	s5 =	simm.s32 $0x30  }
0x41: {  	v6 =	vld [tilespmem:s5+$0x0];
	[tilespmem:s11+$0x60] =	vst v5  }
0x42: {  	v5 =	vld [tilespmem:s26+$0x430];
	_ =	sdelay $0x1  }
0x43: {  	[tilespmem:s11+$0xFFFFFE60] =	vst v3;
	v3 =	vld [tilespmem:s5+$0xFFFFFFF0]  }
0x44: {  	v7 =	vld [tilespmem:s4+$0x430];
	_ =	sdelay $0x1  }
0x45: {  	s5 =	spop (v2sf);
	[tilespmem:s11+$0x70] =	vst v5;
	v5 =	vshll.u32 v6, $0x8  }
0x46: {  	v6 =	vld [tilespmem:s5+$0x400];
	v5 =	vshra.s32 v5, $0x2  }
0x47: {  	v3 =	vshll.u32 v3, $0x8;
	(v2sf) =	vpush v5, $0x0  }
0x48: {  	v3 =	vshra.s32 v3, $0x2;
	[tilespmem:s11+$0xFFFFFE70] =	vst v7  }
0x49: {  	v7 =	vld [tilespmem:s25+$0x400];
	(v2sf) =	vpush v3, $0x0  }
0x4a: {  	(v2sf) =	vpush v3, $0x2  }
0x4b: {  	(v2sf) =	vpush v3, $0x4;
	[tilespmem:s11+$0x80] =	vst v6  }
0x4c: {  	(v2sf) =	vpush v3, $0x6;
	v6 =	vld [tilespmem:s5+$0x410]  }
0x4d: {  	(v2sf) =	vpush v3, $0x8  }
0x4e: {  	[tilespmem:s11+$0xFFFFFE80] =	vst v7;
	(v2sf) =	vpush v4, $0x6  }
0x4f: {  	v7 =	vld [tilespmem:s25+$0x410];
	_ =	sdelay $0x1  }
0x50: {  	[tilespmem:s11+$0x90] =	vst v6  }
0x51: {  	v6 =	vld [tilespmem:s5+$0x420];
	_ =	sdelay $0x1  }
0x52: {  	[tilespmem:s11+$0xFFFFFE90] =	vst v7  }
0x53: {  	v7 =	vld [tilespmem:s25+$0x420]  }
0x54: {  	s6 =	spop (v2sf)  }
0x55: {  	v8 =	vld [tilespmem:s6+$0x400];
	[tilespmem:s11+$0xA0] =	vst v6  }
0x56: {  	s14 =	spop (v2sf);
	v6 =	vld [tilespmem:s5+$0x430]  }
0x57: {  	s17 =	spop (v2sf)  }
0x58: {  	v9 =	vld [tilespmem:s14+$0x400];
	[tilespmem:s11+$0xFFFFFEA0] =	vst v7;
	s15 =	spop (v2sf)  }
0x59: {  	s13 =	simm.s32 $0xE00;
	v7 =	vld [tilespmem:s25+$0x430];
	s22 =	spop (v2sf)  }
0x5a: {  	(v2sf) =	vpush v3, $0xA;
	s0 =	spop (v2sf);
	[tilespmem:s13+$0x0] =	vst v8  }
0x5b: {  	(v2sf) =	vpush v3, $0xC;
	s18 =	spop (v2sf);
	v8 =	vld [tilespmem:s6+$0x410];
	[tilespmem:s11+$0xB0] =	vst v6  }
0x5c: {  	(v2sf) =	vpush v3, $0xE;
	v3 =	vld [tilespmem:s18+$0x400]  }
0x5d: {  	(v2sf) =	vpush v5, $0x2;
	[tilespmem:s13+$0xFFFFFE00] =	vst v9  }
0x5e: {  	v6 =	vld [tilespmem:s14+$0x410];
	[tilespmem:s11+$0xFFFFFEB0] =	vst v7  }
0x5f: {  	v7 =	vld [tilespmem:s7+$0x400]  }
0x60: {  	[tilespmem:s13+$0x10] =	vst v8  }
0x61: {  	v8 =	vld [tilespmem:s6+$0x420];
	[tilespmem:s11+$0xC0] =	vst v3  }
0x62: {  	v3 =	vld [tilespmem:s18+$0x410]  }
0x63: {  	[tilespmem:s13+$0xFFFFFE10] =	vst v6  }
0x64: {  	(v2sf) =	vpush v4, $0x8;
	v6 =	vld [tilespmem:s14+$0x420];
	[tilespmem:s11+$0xFFFFFEC0] =	vst v7  }
0x65: {  	v7 =	vld [tilespmem:s7+$0x410]  }
0x66: {  	[tilespmem:s13+$0x20] =	vst v8  }
0x67: {  	v8 =	vld [tilespmem:s6+$0x430];
	[tilespmem:s11+$0xD0] =	vst v3  }
0x68: {  	v3 =	vld [tilespmem:s18+$0x420]  }
0x69: {  	s23 =	spop (v2sf);
	[tilespmem:s13+$0xFFFFFE20] =	vst v6  }
0x6a: {  	s21 =	spop (v2sf);
	v6 =	vld [tilespmem:s14+$0x430];
	[tilespmem:s11+$0xFFFFFED0] =	vst v7  }
0x6b: {  	s14 =	spop (v2sf);
	v7 =	vld [tilespmem:s7+$0x420]  }
0x6c: {  	s19 =	spop (v2sf);
	[tilespmem:s13+$0x30] =	vst v8  }
0x6d: {  	v8 =	vld [tilespmem:s19+$0x400];
	[tilespmem:s11+$0xE0] =	vst v3  }
0x6e: {  	v3 =	vld [tilespmem:s18+$0x430]  }
0x6f: {  	[tilespmem:s13+$0xFFFFFE30] =	vst v6  }
0x70: {  	v6 =	vld [tilespmem:s17+$0x400];
	[tilespmem:s11+$0xFFFFFEE0] =	vst v7  }
0x71: {  	v7 =	vld [tilespmem:s7+$0x430]  }
0x72: {  	[tilespmem:s13+$0x40] =	vst v8  }
0x73: {  	s24 =	spop (v2sf);
	v8 =	vld [tilespmem:s19+$0x410];
	[tilespmem:s11+$0xF0] =	vst v3  }
0x74: {  	v3 =	vld [tilespmem:s24+$0x400]  }
0x75: {  	(v2sf) =	vpush v5, $0x4;
	[tilespmem:s13+$0xFFFFFE40] =	vst v6  }
0x76: {  	v6 =	vld [tilespmem:s17+$0x410];
	[tilespmem:s11+$0xFFFFFEF0] =	vst v7  }
0x77: {  	v7 =	vld [tilespmem:s1+$0x400]  }
0x78: {  	[tilespmem:s13+$0x50] =	vst v8  }
0x79: {  	v8 =	vld [tilespmem:s19+$0x420];
	[tilespmem:s11+$0x100] =	vst v3  }
0x7a: {  	v3 =	vld [tilespmem:s24+$0x410]  }
0x7b: {  	[tilespmem:s13+$0xFFFFFE50] =	vst v6  }
0x7c: {  	(v2sf) =	vpush v4, $0xA;
	v6 =	vld [tilespmem:s17+$0x420];
	[tilespmem:s11+$0xFFFFFF00] =	vst v7  }
0x7d: {  	s25 =	simm.s32 $0x50;
	v7 =	vld [tilespmem:s1+$0x410]  }
0x7e: {  	v9 =	vld [tilespmem:s25+$0x0];
	[tilespmem:s13+$0x60] =	vst v8  }
0x7f: {  	v8 =	vld [tilespmem:s19+$0x430];
	[tilespmem:s11+$0x110] =	vst v3  }
0x80: {  	v3 =	vld [tilespmem:s24+$0x420]  }
0x81: {  	[tilespmem:s13+$0xFFFFFE60] =	vst v6;
	v6 =	vld [tilespmem:s25+$0xFFFFFFF0]  }
0x82: {  	[tilespmem:s11+$0xFFFFFF10] =	vst v7;
	v7 =	vld [tilespmem:s17+$0x430]  }
0x83: {  	v10 =	vld [tilespmem:s1+$0x420]  }
0x84: {  	s26 =	spop (v2sf);
	[tilespmem:s13+$0x70] =	vst v8;
	v8 =	vshll.u32 v9, $0x8  }
0x85: {  	v9 =	vld [tilespmem:s26+$0x400];
	[tilespmem:s11+$0x120] =	vst v3;
	v3 =	vshra.s32 v8, $0x2  }
0x86: {  	v6 =	vshll.u32 v6, $0x8;
	v8 =	vld [tilespmem:s24+$0x430];
	(v2sf) =	vpush v3, $0x0  }
0x87: {  	v6 =	vshra.s32 v6, $0x2;
	[tilespmem:s13+$0xFFFFFE70] =	vst v7  }
0x88: {  	v7 =	vld [tilespmem:s15+$0x400];
	[tilespmem:s11+$0xFFFFFF20] =	vst v10;
	(v2sf) =	vpush v6, $0x0  }
0x89: {  	v10 =	vld [tilespmem:s1+$0x430];
	(v2sf) =	vpush v6, $0x2  }
0x8a: {  	(v2sf) =	vpush v6, $0x4;
	[tilespmem:s13+$0x80] =	vst v9  }
0x8b: {  	s5 =	spop (v2sf);
	(v2sf) =	vpush v6, $0x6;
	v9 =	vld [tilespmem:s26+$0x410];
	[tilespmem:s11+$0x130] =	vst v8  }
0x8c: {  	(v2sf) =	vpush v6, $0x8;
	v8 =	vld [tilespmem:s5+$0x400]  }
0x8d: {  	[tilespmem:s13+$0xFFFFFE80] =	vst v7;
	(v2sf) =	vpush v5, $0x6  }
0x8e: {  	v7 =	vld [tilespmem:s15+$0x410];
	[tilespmem:s11+$0xFFFFFF30] =	vst v10  }
0x8f: {  	v10 =	vld [tilespmem:s16+$0x400]  }
0x90: {  	[tilespmem:s13+$0x90] =	vst v9  }
0x91: {  	[tilespmem:s11+$0x140] =	vst v8;
	v8 =	vld [tilespmem:s26+$0x420]  }
0x92: {  	(v2sf) =	vpush v6, $0xA  }
0x93: {  	(v2sf) =	vpush v6, $0xC;
	[tilespmem:s13+$0xFFFFFE90] =	vst v7;
	v9 =	vld [tilespmem:s5+$0x410]  }
0x94: {  	(v2sf) =	vpush v6, $0xE;
	v6 =	vld [tilespmem:s15+$0x420];
	[tilespmem:s11+$0xFFFFFF40] =	vst v10  }
0x95: {  	(v2sf) =	vpush v4, $0xC;
	v7 =	vld [tilespmem:s16+$0x410];
	s7 =	spop (v2sf)  }
0x96: {  	v10 =	vld [tilespmem:s7+$0x400];
	[tilespmem:s13+$0xA0] =	vst v8  }
0x97: {  	s6 =	spop (v2sf);
	v8 =	vld [tilespmem:s26+$0x430]  }
0x98: {  	[tilespmem:s11+$0x150] =	vst v9;
	s1 =	spop (v2sf);
	v11 =	vld [tilespmem:s6+$0x400]  }
0x99: {  	[tilespmem:s13+$0xFFFFFEA0] =	vst v6;
	v9 =	vld [tilespmem:s5+$0x420];
	s24 =	spop (v2sf)  }
0x9a: {  	v6 =	vld [tilespmem:s15+$0x430];
	s15 =	simm.s32 $0x1200;
	[tilespmem:s11+$0xFFFFFF50] =	vst v7;
	s30 =	spop (v2sf)  }
0x9b: {  	v7 =	vld [tilespmem:s16+$0x420];
	s19 =	spop (v2sf);
	[tilespmem:s15+$0x0] =	vst v10  }
0x9c: {  	s25 =	spop (v2sf);
	v10 =	vld [tilespmem:s7+$0x410];
	[tilespmem:s13+$0xB0] =	vst v8  }
0x9d: {  	[tilespmem:s15+$0xFFFFFE00] =	vst v11;
	v8 =	vld [tilespmem:s25+$0x400]  }
0x9e: {  	(v2sf) =	vpush v3, $0x2;
	[tilespmem:s11+$0x160] =	vst v9;
	v11 =	vld [tilespmem:s6+$0x410]  }
0x9f: {  	[tilespmem:s13+$0xFFFFFEB0] =	vst v6;
	v9 =	vld [tilespmem:s5+$0x430]  }
0xa0: {  	v6 =	vld [tilespmem:s22+$0x400];
	[tilespmem:s11+$0xFFFFFF60] =	vst v7  }
0xa1: {  	s18 =	spop (v2sf);
	v7 =	vld [tilespmem:s16+$0x430];
	[tilespmem:s15+$0x10] =	vst v10  }
0xa2: {  	s17 =	spop (v2sf);
	v10 =	vld [tilespmem:s7+$0x420];
	[tilespmem:s13+$0xC0] =	vst v8  }
0xa3: {  	s16 =	spop (v2sf);
	[tilespmem:s15+$0xFFFFFE10] =	vst v11;
	v8 =	vld [tilespmem:s25+$0x410]  }
0xa4: {  	s26 =	spop (v2sf);
	[tilespmem:s11+$0x170] =	vst v9;
	v11 =	vld [tilespmem:s6+$0x420]  }
0xa5: {  	(v2sf) =	vpush v5, $0x8;
	[tilespmem:s13+$0xFFFFFEC0] =	vst v6;
	v9 =	vld [tilespmem:s26+$0x400]  }
0xa6: {  	v6 =	vld [tilespmem:s22+$0x410];
	[tilespmem:s11+$0xFFFFFF70] =	vst v7  }
0xa7: {  	v7 =	vld [tilespmem:s20+$0x400];
	[tilespmem:s15+$0x20] =	vst v10  }
0xa8: {  	v10 =	vld [tilespmem:s7+$0x430];
	[tilespmem:s13+$0xD0] =	vst v8  }
0xa9: {  	[tilespmem:s15+$0xFFFFFE20] =	vst v11;
	v8 =	vld [tilespmem:s25+$0x420]  }
0xaa: {  	[tilespmem:s11+$0x180] =	vst v9;
	v11 =	vld [tilespmem:s6+$0x430]  }
0xab: {  	[tilespmem:s13+$0xFFFFFED0] =	vst v6;
	v9 =	vld [tilespmem:s26+$0x410]  }
0xac: {  	v6 =	vld [tilespmem:s22+$0x420];
	[tilespmem:s11+$0xFFFFFF80] =	vst v7  }
0xad: {  	(v2sf) =	vpush v4, $0xE;
	s6 =	spop (v2sf);
	v4 =	vld [tilespmem:s20+$0x410];
	[tilespmem:s15+$0x30] =	vst v10  }
0xae: {  	v7 =	vld [tilespmem:s6+$0x400];
	[tilespmem:s13+$0xE0] =	vst v8  }
0xaf: {  	[tilespmem:s15+$0xFFFFFE30] =	vst v11;
	v8 =	vld [tilespmem:s25+$0x430]  }
0xb0: {  	[tilespmem:s11+$0x190] =	vst v9;
	v10 =	vld [tilespmem:s1+$0x400]  }
0xb1: {  	[tilespmem:s13+$0xFFFFFEE0] =	vst v6;
	v9 =	vld [tilespmem:s26+$0x420]  }
0xb2: {  	v6 =	vld [tilespmem:s22+$0x430];
	[tilespmem:s11+$0xFFFFFF90] =	vst v4  }
0xb3: {  	v4 =	vld [tilespmem:s20+$0x420];
	[tilespmem:s15+$0x40] =	vst v7  }
0xb4: {  	s25 =	spop (v2sf);
	v7 =	vld [tilespmem:s6+$0x410];
	[tilespmem:s13+$0xF0] =	vst v8  }
0xb5: {  	s7 =	simm.s32 $0x70;
	[tilespmem:s15+$0xFFFFFE40] =	vst v10;
	v8 =	vld [tilespmem:s25+$0x400]  }
0xb6: {  	(v2sf) =	vpush v3, $0x4;
	v11 =	vld [tilespmem:s7+$0x0];
	[tilespmem:s11+$0x1A0] =	vst v9  }
0xb7: {  	v10 =	vld [tilespmem:s1+$0x410];
	[tilespmem:s13+$0xFFFFFEF0] =	vst v6  }
0xb8: {  	v6 =	vld [tilespmem:s0+$0x400];
	[tilespmem:s11+$0xFFFFFFA0] =	vst v4  }
0xb9: {  	v9 =	vld [tilespmem:s26+$0x430];
	[tilespmem:s15+$0x50] =	vst v7  }
0xba: {  	v4 =	vld [tilespmem:s6+$0x420];
	[tilespmem:s13+$0x100] =	vst v8  }
0xbb: {  	v8 =	vld [tilespmem:s25+$0x410]  }
0xbc: {  	v7 =	vld [tilespmem:s20+$0x430];
	[tilespmem:s15+$0xFFFFFE50] =	vst v10  }
0xbd: {  	(v2sf) =	vpush v5, $0xA;
	v10 =	vld [tilespmem:s1+$0x420];
	[tilespmem:s13+$0xFFFFFF00] =	vst v6  }
0xbe: {  	s26 =	spop (v2sf);
	[tilespmem:s11+$0x1B0] =	vst v9;
	v6 =	vld [tilespmem:s0+$0x410]  }
0xbf: {  	v9 =	vld [tilespmem:s26+$0x400];
	[tilespmem:s15+$0x60] =	vst v4  }
0xc0: {  	v4 =	vld [tilespmem:s6+$0x430];
	[tilespmem:s13+$0x110] =	vst v8  }
0xc1: {  	v8 =	vld [tilespmem:s25+$0x420]  }
0xc2: {  	[tilespmem:s15+$0xFFFFFE60] =	vst v10;
	v10 =	vld [tilespmem:s7+$0xFFFFFFF0]  }
0xc3: {  	[tilespmem:s13+$0xFFFFFF10] =	vst v6;
	v6 =	vld [tilespmem:s1+$0x430]  }
0xc4: {  	[tilespmem:s11+$0x1C0] =	vst v9;
	v9 =	vld [tilespmem:s0+$0x420]  }
0xc5: {  	s20 =	spop (v2sf);
	v12 =	vld [tilespmem:s26+$0x410];
	[tilespmem:s15+$0x70] =	vst v4;
	v4 =	vshll.u32 v11, $0x8  }
0xc6: {  	v11 =	vld [tilespmem:s20+$0x400];
	[tilespmem:s13+$0x120] =	vst v8;
	v4 =	vshra.s32 v4, $0x2  }
0xc7: {  	[tilespmem:s11+$0xFFFFFFB0] =	vst v7;
	v8 =	vshll.u32 v10, $0x8;
	v7 =	vld [tilespmem:s25+$0x430];
	(v2sf) =	vpush v4, $0x0  }
0xc8: {  	[tilespmem:s15+$0xFFFFFE70] =	vst v6;
	v6 =	vld [tilespmem:s12+$0x400];
	v8 =	vshra.s32 v8, $0x2  }
0xc9: {  	v10 =	vld [tilespmem:s24+$0x400];
	[tilespmem:s13+$0xFFFFFF20] =	vst v9;
	(v2sf) =	vpush v8, $0x0  }
0xca: {  	[tilespmem:s11+$0x1D0] =	vst v12;
	v9 =	vld [tilespmem:s0+$0x430];
	(v2sf) =	vpush v8, $0x2  }
0xcb: {  	v12 =	vld [tilespmem:s26+$0x420];
	(v2sf) =	vpush v8, $0x4;
	[tilespmem:s15+$0x80] =	vst v11  }
0xcc: {  	s22 =	spop (v2sf);
	(v2sf) =	vpush v8, $0x6;
	v11 =	vld [tilespmem:s20+$0x410];
	[tilespmem:s13+$0x130] =	vst v7  }
0xcd: {  	[tilespmem:s11+$0xFFFFFFC0] =	vst v6;
	(v2sf) =	vpush v8, $0x8;
	v7 =	vld [tilespmem:s22+$0x400]  }
0xce: {  	[tilespmem:s15+$0xFFFFFE80] =	vst v10;
	v6 =	vld [tilespmem:s12+$0x410];
	(v2sf) =	vpush v3, $0x6  }
0xcf: {  	v10 =	vld [tilespmem:s24+$0x410];
	[tilespmem:s13+$0xFFFFFF30] =	vst v9  }
0xd0: {  	[tilespmem:s11+$0x1E0] =	vst v12;
	v9 =	vld [tilespmem:s23+$0x400]  }
0xd1: {  	v12 =	vld [tilespmem:s26+$0x430];
	[tilespmem:s15+$0x90] =	vst v11  }
0xd2: {  	(v2sf) =	vpush v8, $0xA;
	[tilespmem:s13+$0x140] =	vst v7;
	v7 =	vld [tilespmem:s20+$0x420]  }
0xd3: {  	(v2sf) =	vpush v8, $0xC;
	[tilespmem:s11+$0xFFFFFFD0] =	vst v6;
	v11 =	vld [tilespmem:s22+$0x410]  }
0xd4: {  	(v2sf) =	vpush v8, $0xE;
	[tilespmem:s15+$0xFFFFFE90] =	vst v10;
	v6 =	vld [tilespmem:s12+$0x420]  }
0xd5: {  	(v2sf) =	vpush v5, $0xC;
	v8 =	vld [tilespmem:s24+$0x420];
	[tilespmem:s13+$0xFFFFFF40] =	vst v9  }
0xd6: {  	[tilespmem:s11+$0x1F0] =	vst v12;
	v9 =	vld [tilespmem:s23+$0x410];
	s4 =	spop (v2sf)  }
0xd7: {  	v10 =	vld [tilespmem:s4+$0x400];
	[tilespmem:s15+$0xA0] =	vst v7  }
0xd8: {  	s7 =	spop (v2sf);
	v7 =	vld [tilespmem:s20+$0x430];
	[tilespmem:s13+$0x150] =	vst v11  }
0xd9: {  	[tilespmem:s11+$0xFFFFFFE0] =	vst v6;
	s29 =	spop (v2sf);
	v11 =	vld [tilespmem:s22+$0x420]  }
0xda: {  	v6 =	vld [tilespmem:s7+$0x400];
	[tilespmem:s15+$0xFFFFFEA0] =	vst v8;
	s26 =	spop (v2sf)  }
0xdb: {  	s20 =	simm.s32 $0x1600;
	v8 =	vld [tilespmem:s24+$0x430];
	[tilespmem:s13+$0xFFFFFF50] =	vst v9;
	s25 =	spop (v2sf)  }
0xdc: {  	v9 =	vld [tilespmem:s23+$0x420];
	s28 =	spop (v2sf);
	[tilespmem:s20+$0x0] =	vst v10  }
0xdd: {  	s5 =	spop (v2sf);
	v10 =	vld [tilespmem:s4+$0x410];
	[tilespmem:s15+$0xB0] =	vst v7  }
0xde: {  	v7 =	vld [tilespmem:s5+$0x400];
	[tilespmem:s13+$0x160] =	vst v11  }
0xdf: {  	(v2sf) =	vpush v4, $0x2;
	[tilespmem:s20+$0xFFFFFE00] =	vst v6;
	v6 =	vld [tilespmem:s22+$0x430]  }
0xe0: {  	v11 =	vld [tilespmem:s7+$0x410];
	[tilespmem:s15+$0xFFFFFEB0] =	vst v8  }
0xe1: {  	s24 =	spop (v2sf);
	v8 =	vld [tilespmem:s30+$0x400];
	[tilespmem:s13+$0xFFFFFF60] =	vst v9  }
0xe2: {  	s22 =	spop (v2sf);
	v9 =	vld [tilespmem:s23+$0x430];
	[tilespmem:s20+$0x10] =	vst v10  }
0xe3: {  	s23 =	spop (v2sf);
	v10 =	vld [tilespmem:s4+$0x420];
	[tilespmem:s15+$0xC0] =	vst v7  }
0xe4: {  	s6 =	spop (v2sf);
	v7 =	vld [tilespmem:s5+$0x410];
	[tilespmem:s13+$0x170] =	vst v6  }
0xe5: {  	[tilespmem:s20+$0xFFFFFE10] =	vst v11;
	v6 =	vld [tilespmem:s6+$0x400]  }
0xe6: {  	(v2sf) =	vpush v3, $0x8;
	v11 =	vld [tilespmem:s7+$0x420];
	[tilespmem:s15+$0xFFFFFEC0] =	vst v8  }
0xe7: {  	v8 =	vld [tilespmem:s30+$0x410];
	[tilespmem:s13+$0xFFFFFF70] =	vst v9  }
0xe8: {  	v9 =	vld [tilespmem:s21+$0x400];
	[tilespmem:s20+$0x20] =	vst v10  }
0xe9: {  	v10 =	vld [tilespmem:s4+$0x430];
	[tilespmem:s15+$0xD0] =	vst v7  }
0xea: {  	v7 =	vld [tilespmem:s5+$0x420];
	[tilespmem:s13+$0x180] =	vst v6  }
0xeb: {  	[tilespmem:s20+$0xFFFFFE20] =	vst v11;
	v6 =	vld [tilespmem:s6+$0x410]  }
0xec: {  	v11 =	vld [tilespmem:s7+$0x430];
	[tilespmem:s15+$0xFFFFFED0] =	vst v8  }
0xed: {  	(v2sf) =	vpush v5, $0xE;
	v8 =	vld [tilespmem:s30+$0x420];
	[tilespmem:s13+$0xFFFFFF80] =	vst v9  }
0xee: {  	s7 =	spop (v2sf);
	v5 =	vld [tilespmem:s21+$0x410];
	[tilespmem:s20+$0x30] =	vst v10  }
0xef: {  	v9 =	vld [tilespmem:s7+$0x400];
	[tilespmem:s15+$0xE0] =	vst v7  }
0xf0: {  	v7 =	vld [tilespmem:s5+$0x430];
	[tilespmem:s13+$0x190] =	vst v6  }
0xf1: {  	[tilespmem:s20+$0xFFFFFE30] =	vst v11;
	v6 =	vld [tilespmem:s6+$0x420]  }
0xf2: {  	v10 =	vld [tilespmem:s29+$0x400];
	[tilespmem:s15+$0xFFFFFEE0] =	vst v8  }
0xf3: {  	v8 =	vld [tilespmem:s30+$0x430];
	[tilespmem:s13+$0xFFFFFF90] =	vst v5  }
0xf4: {  	v5 =	vld [tilespmem:s21+$0x420];
	[tilespmem:s20+$0x40] =	vst v9  }
0xf5: {  	s1 =	spop (v2sf);
	v9 =	vld [tilespmem:s7+$0x410];
	[tilespmem:s15+$0xF0] =	vst v7  }
0xf6: {  	v7 =	vld [tilespmem:s1+$0x400];
	[tilespmem:s13+$0x1A0] =	vst v6  }
0xf7: {  	(v2sf) =	vpush v4, $0x4;
	[tilespmem:s20+$0xFFFFFE40] =	vst v10;
	v10 =	vld [tilespmem:s6+$0x430]  }
0xf8: {  	v11 =	vld [tilespmem:s29+$0x410];
	[tilespmem:s15+$0xFFFFFEF0] =	vst v8  }
0xf9: {  	v63 =	vld [tilespmem:s19+$0x400];
	[tilespmem:s13+$0xFFFFFFA0] =	vst v5  }
0xfa: {  	v13 =	vld [tilespmem:s21+$0x430];
	[tilespmem:s20+$0x50] =	vst v9  }
0xfb: {  	v8 =	vld [tilespmem:s7+$0x420];
	[tilespmem:s15+$0x100] =	vst v7  }
0xfc: {  	s0 =	spop (v2sf);
	v6 =	vld [tilespmem:s1+$0x410];
	[tilespmem:s13+$0x1B0] =	vst v10  }
0xfd: {  	[tilespmem:s20+$0xFFFFFE50] =	vst v11;
	v5 =	vld [tilespmem:s0+$0x400]  }
0xfe: {  	(v2sf) =	vpush v3, $0xA;
	v9 =	vld [tilespmem:s29+$0x420];
	[tilespmem:s15+$0xFFFFFF00] =	vst v63  }
0xff: {  	s31 =	simm.s32 $0x90;
	s30 =	simm.s32 $0x6;
	s21 =	simm.s32 $0x4;
	v7 =	vld [tilespmem:s19+$0x410];
	[tilespmem:s13+$0xFFFFFFB0] =	vst v13  }
.LBB2_2:
0x100: {  	v10 =	vld [tilespmem:s31+$0x0];
	[tilespmem:s20+$0x60] =	vst v8  }
0x101: {  	v8 =	vld [tilespmem:s7+$0x430];
	[tilespmem:s15+$0x110] =	vst v6  }
0x102: {  	v6 =	vld [tilespmem:s1+$0x420];
	[tilespmem:s13+$0x1C0] =	vst v5  }
0x103: {  	[tilespmem:s20+$0xFFFFFE60] =	vst v9;
	v9 =	vld [tilespmem:s0+$0x410]  }
0x104: {  	s30 =	sadd.s32 $0x2, s30;
	v11 =	vld [tilespmem:s31+$0xFFFFFFF0];
	[tilespmem:s15+$0xFFFFFF10] =	vst v7  }
0x105: {  	p0 =	slt.u32 s30, $0x3E;
	v7 =	vld [tilespmem:s29+$0x430]  }
0x106: {  	[tilespmem:s20+$0x70] =	vst v8;
	s29 =	spop (v2sf);
	v8 =	vld [tilespmem:s19+$0x420]  }
0x107: {  	v5 =	vshll.u32 v10, $0x8;
	v10 =	vld [tilespmem:s29+$0x400];
	[tilespmem:s15+$0x120] =	vst v6  }
0x108: {  	v5 =	vshra.s32 v5, $0x2;
	v6 =	vld [tilespmem:s1+$0x430];
	[tilespmem:s13+$0x1D0] =	vst v9  }
0x109: {  	v9 =	vshll.u32 v11, $0x8;
	(v2sf) =	vpush v5, $0x0;
	v11 =	vld [tilespmem:s0+$0x420]  }
0x10a: {  	v9 =	vshra.s32 v9, $0x2;
	[tilespmem:s20+$0xFFFFFE70] =	vst v7;
	v7 =	vld [tilespmem:s14+$0x400]  }
0x10b: {  	(v2sf) =	vpush v9, $0x0;
	v12 =	vld [tilespmem:s26+$0x400];
	[tilespmem:s15+$0xFFFFFF20] =	vst v8  }
0x10c: {  	(v2sf) =	vpush v9, $0x2;
	[tilespmem:s20+$0x80] =	vst v10;
	v8 =	vld [tilespmem:s19+$0x430];
	s19 =	smov.u32 s28  }
0x10d: {  	(v2sf) =	vpush v9, $0x4;
	v10 =	vld [tilespmem:s29+$0x410];
	[tilespmem:s15+$0x130] =	vst v6;
	s7 =	spop (v2sf)  }
0x10e: {  	(v2sf) =	vpush v9, $0x6;
	v6 =	vld [tilespmem:s7+$0x400];
	[tilespmem:s13+$0x1E0] =	vst v11  }
0x10f: {  	(v2sf) =	vpush v9, $0x8;
	[tilespmem:s13+$0xFFFFFFC0] =	vst v7;
	v7 =	vld [tilespmem:s0+$0x430]  }
0x110: {  	[tilespmem:s20+$0xFFFFFE80] =	vst v12;
	(v2sf) =	vpush v4, $0x6;
	v11 =	vld [tilespmem:s14+$0x410]  }
0x111: {  	(v2sf) =	vpush v9, $0xA;
	v12 =	vld [tilespmem:s26+$0x410];
	[tilespmem:s15+$0xFFFFFF30] =	vst v8  }
0x112: {  	(v2sf) =	vpush v9, $0xC;
	[tilespmem:s20+$0x90] =	vst v10;
	v8 =	vld [tilespmem:s18+$0x400]  }
0x113: {  	(v2sf) =	vpush v9, $0xE;
	[tilespmem:s15+$0x140] =	vst v6;
	v6 =	vld [tilespmem:s12+$0x430];
	s12 =	smov.u32 s14;
	s14 =	smov.u32 s16;
	s16 =	smov.u32 s23  }
0x114: {  	v9 =	vld [tilespmem:s29+$0x420];
	[tilespmem:s13+$0x1F0] =	vst v7  }
0x115: {  	v7 =	vld [tilespmem:s7+$0x410];
	[tilespmem:s13+$0xFFFFFFD0] =	vst v11  }
0x116: {  	[tilespmem:s20+$0xFFFFFE90] =	vst v12;
	v10 =	vld [tilespmem:s12+$0x420]  }
0x117: {  	v11 =	vld [tilespmem:s26+$0x420];
	[tilespmem:s15+$0xFFFFFF40] =	vst v8;
	(v2sf) =	vpush v3, $0xC  }
0x118: {  	s3 =	spop (v2sf);
	v8 =	vld [tilespmem:s18+$0x410];
	[tilespmem:s11+$0xFFFFFFF0] =	vst v6;
	s11 =	smov.u32 s13;
	s13 =	smov.u32 s15  }
0x119: {  	s15 =	smov.u32 s20;
	v6 =	vld [tilespmem:s3+$0x400];
	[tilespmem:s20+$0xA0] =	vst v9  }
0x11a: {  	s4 =	spop (v2sf);
	v9 =	vld [tilespmem:s29+$0x430];
	[tilespmem:s13+$0x150] =	vst v7  }
0x11b: {  	s29 =	spop (v2sf);
	v7 =	vld [tilespmem:s7+$0x420];
	[tilespmem:s11+$0xFFFFFFE0] =	vst v10  }
0x11c: {  	v10 =	vld [tilespmem:s4+$0x400];
	s0 =	spop (v2sf);
	[tilespmem:s20+$0xFFFFFEA0] =	vst v11  }
0x11d: {  	s20 =	sadd.s32 $0x400, s20;
	s1 =	spop (v2sf);
	v11 =	vld [tilespmem:s26+$0x430];
	[tilespmem:s13+$0xFFFFFF50] =	vst v8;
	s26 =	smov.u32 s0  }
0x11e: {  	[tilespmem:s20+$0x0] =	vst v6;
	s28 =	spop (v2sf);
	v6 =	vld [tilespmem:s18+$0x420]  }
0x11f: {  	v8 =	vld [tilespmem:s3+$0x410];
	[tilespmem:s15+$0xB0] =	vst v9;
	s5 =	spop (v2sf)  }
0x120: {  	s6 =	spop (v2sf);
	v9 =	vld [tilespmem:s5+$0x400];
	[tilespmem:s13+$0x160] =	vst v7  }
0x121: {  	[tilespmem:s20+$0xFFFFFE00] =	vst v10;
	s0 =	spop (v2sf);
	(v2sf) =	vpush v5, $0x2;
	v7 =	vld [tilespmem:s7+$0x430]  }
0x122: {  	v10 =	vld [tilespmem:s4+$0x410];
	s23 =	spop (v2sf);
	[tilespmem:s15+$0xFFFFFEB0] =	vst v11  }
0x123: {  	v11 =	vld [tilespmem:s25+$0x400];
	[tilespmem:s13+$0xFFFFFF60] =	vst v6  }
0x124: {  	[tilespmem:s20+$0x10] =	vst v8;
	v6 =	vld [tilespmem:s18+$0x430];
	s18 =	smov.u32 s24;
	s24 =	smov.u32 s6  }
0x125: {  	v8 =	vld [tilespmem:s3+$0x420];
	[tilespmem:s15+$0xC0] =	vst v9  }
0x126: {  	v9 =	vld [tilespmem:s5+$0x410];
	[tilespmem:s13+$0x170] =	vst v7;
	s6 =	spop (v2sf)  }
0x127: {  	[tilespmem:s20+$0xFFFFFE10] =	vst v10;
	v7 =	vld [tilespmem:s6+$0x400]  }
0x128: {  	v10 =	vld [tilespmem:s4+$0x420];
	[tilespmem:s15+$0xFFFFFEC0] =	vst v11;
	(v2sf) =	vpush v4, $0x8  }
0x129: {  	v11 =	vld [tilespmem:s25+$0x410];
	[tilespmem:s13+$0xFFFFFF70] =	vst v6  }
0x12a: {  	[tilespmem:s20+$0x20] =	vst v8;
	v6 =	vld [tilespmem:s17+$0x400]  }
0x12b: {  	v8 =	vld [tilespmem:s3+$0x430];
	[tilespmem:s15+$0xD0] =	vst v9  }
0x12c: {  	v9 =	vld [tilespmem:s5+$0x420];
	[tilespmem:s13+$0x180] =	vst v7  }
0x12d: {  	[tilespmem:s20+$0xFFFFFE20] =	vst v10;
	v7 =	vld [tilespmem:s6+$0x410]  }
0x12e: {  	v10 =	vld [tilespmem:s4+$0x430];
	[tilespmem:s15+$0xFFFFFED0] =	vst v11  }
0x12f: {  	v11 =	vld [tilespmem:s25+$0x420];
	[tilespmem:s13+$0xFFFFFF80] =	vst v6;
	(v2sf) =	vpush v3, $0xE;
	v3 =	vmov v4;
	v4 =	vmov v5  }
0x130: {  	[tilespmem:s20+$0x30] =	vst v8;
	s7 =	spop (v2sf);
	v5 =	vld [tilespmem:s17+$0x410]  }
0x131: {  	v6 =	vld [tilespmem:s7+$0x400];
	[tilespmem:s15+$0xE0] =	vst v9  }
0x132: {  	v8 =	vld [tilespmem:s5+$0x430];
	[tilespmem:s13+$0x190] =	vst v7  }
0x133: {  	[tilespmem:s20+$0xFFFFFE30] =	vst v10;
	v7 =	vld [tilespmem:s6+$0x420]  }
0x134: {  	v9 =	vld [tilespmem:s29+$0x400];
	[tilespmem:s15+$0xFFFFFEE0] =	vst v11  }
0x135: {  	v10 =	vld [tilespmem:s25+$0x430];
	[tilespmem:s13+$0xFFFFFF90] =	vst v5;
	s25 =	smov.u32 s1  }
0x136: {  	[tilespmem:s20+$0x40] =	vst v6;
	v5 =	vld [tilespmem:s17+$0x420]  }
0x137: {  	v6 =	vld [tilespmem:s7+$0x410];
	[tilespmem:s15+$0xF0] =	vst v8;
	s1 =	spop (v2sf)  }
0x138: {  	v11 =	vld [tilespmem:s1+$0x400];
	[tilespmem:s13+$0x1A0] =	vst v7  }
0x139: {  	[tilespmem:s20+$0xFFFFFE40] =	vst v9;
	(v2sf) =	vpush v4, $0x4;
	v7 =	vld [tilespmem:s6+$0x430]  }
0x13a: {  	v9 =	vld [tilespmem:s29+$0x410];
	[tilespmem:s15+$0xFFFFFEF0] =	vst v10  }
0x13b: {  	v10 =	vld [tilespmem:s19+$0x400];
	[tilespmem:s13+$0xFFFFFFA0] =	vst v5  }
0x13c: {  	[tilespmem:s20+$0x50] =	vst v6;
	v12 =	vld [tilespmem:s17+$0x430];
	s17 =	smov.u32 s22;
	s22 =	smov.u32 s0  }
.Ltmp0:
0x13d: {  	v8 =	vld [tilespmem:s7+$0x420];
	[tilespmem:s15+$0x100] =	vst v11;
	(pc) =	sbr.rel @p0 .LBB2_2-.Ltmp0, $4  }
0x13e: {  	v6 =	vld [tilespmem:s1+$0x410];
	[tilespmem:s13+$0x1B0] =	vst v7;
	s0 =	spop (v2sf)  }
0x13f: {  	[tilespmem:s20+$0xFFFFFE50] =	vst v9;
	v5 =	vld [tilespmem:s0+$0x400]  }
0x140: {  	v9 =	vld [tilespmem:s29+$0x420];
	[tilespmem:s15+$0xFFFFFF00] =	vst v10;
	(v2sf) =	vpush v3, $0xA  }
0x141: {  	s31 =	sadd.s32 $0x20, s31;
	v7 =	vld [tilespmem:s19+$0x410];
	[tilespmem:s13+$0xFFFFFFB0] =	vst v12  }
0x142: {  	_ =	sdelay $0x1  }
0x143: {  	[tilespmem:s20+$0x60] =	vst v8  }
0x144: {  	v8 =	vld [tilespmem:s7+$0x430];
	[tilespmem:s20+$0xFFFFFE60] =	vst v9  }
0x145: {  	v9 =	vld [tilespmem:s29+$0x430];
	_ =	sdelay $0x3  }
0x146: {  	[tilespmem:s20+$0x70] =	vst v8;
	s3 =	spop (v2sf)  }
0x147: {  	v8 =	vld [tilespmem:s3+$0x400];
	[tilespmem:s20+$0xFFFFFE70] =	vst v9  }
0x148: {  	v9 =	vld [tilespmem:s26+$0x400];
	_ =	sdelay $0x3  }
0x149: {  	[tilespmem:s20+$0x80] =	vst v8  }
0x14a: {  	v8 =	vld [tilespmem:s3+$0x410];
	[tilespmem:s20+$0xFFFFFE80] =	vst v9  }
0x14b: {  	v9 =	vld [tilespmem:s26+$0x410]  }
0x14c: {  	(v2sf) =	vpush v4, $0x6;
	_ =	sdelay $0x2  }
0x14d: {  	[tilespmem:s20+$0x90] =	vst v8  }
0x14e: {  	v8 =	vld [tilespmem:s3+$0x420];
	[tilespmem:s20+$0xFFFFFE90] =	vst v9  }
0x14f: {  	v9 =	vld [tilespmem:s26+$0x420];
	_ =	sdelay $0x3  }
0x150: {  	[tilespmem:s20+$0xA0] =	vst v8  }
0x151: {  	v8 =	vld [tilespmem:s3+$0x430];
	[tilespmem:s20+$0xFFFFFEA0] =	vst v9  }
0x152: {  	v9 =	vld [tilespmem:s26+$0x430];
	_ =	sdelay $0x2  }
0x153: {  	s29 =	spop (v2sf)  }
0x154: {  	s4 =	spop (v2sf);
	[tilespmem:s20+$0xB0] =	vst v8  }
0x155: {  	v8 =	vld [tilespmem:s4+$0x400];
	[tilespmem:s20+$0xFFFFFEB0] =	vst v9  }
0x156: {  	v9 =	vld [tilespmem:s25+$0x400];
	_ =	sdelay $0x3  }
0x157: {  	[tilespmem:s20+$0xC0] =	vst v8  }
0x158: {  	v8 =	vld [tilespmem:s4+$0x410];
	[tilespmem:s20+$0xFFFFFEC0] =	vst v9  }
0x159: {  	(v2sf) =	vpush v3, $0xC;
	v9 =	vld [tilespmem:s25+$0x410]  }
0x15a: {  	(v2sf) =	vpush v4, $0x8;
	_ =	sdelay $0x2  }
0x15b: {  	[tilespmem:s20+$0xD0] =	vst v8  }
0x15c: {  	v8 =	vld [tilespmem:s4+$0x420];
	[tilespmem:s20+$0xFFFFFED0] =	vst v9  }
0x15d: {  	v9 =	vld [tilespmem:s25+$0x420];
	_ =	sdelay $0x3  }
0x15e: {  	[tilespmem:s20+$0xE0] =	vst v8  }
0x15f: {  	v8 =	vld [tilespmem:s4+$0x430];
	[tilespmem:s20+$0xFFFFFEE0] =	vst v9  }
0x160: {  	v9 =	vld [tilespmem:s25+$0x430];
	_ =	sdelay $0x2  }
0x161: {  	s30 =	spop (v2sf)  }
0x162: {  	s31 =	spop (v2sf);
	[tilespmem:s20+$0xF0] =	vst v8  }
0x163: {  	v8 =	vld [tilespmem:s31+$0x400];
	[tilespmem:s20+$0xFFFFFEF0] =	vst v9  }
0x164: {  	v9 =	vld [tilespmem:s28+$0x400];
	_ =	sdelay $0x3  }
0x165: {  	[tilespmem:s20+$0x100] =	vst v8  }
0x166: {  	v8 =	vld [tilespmem:s31+$0x410];
	[tilespmem:s20+$0xFFFFFF00] =	vst v9  }
0x167: {  	(v2sf) =	vpush v3, $0xE;
	v3 =	vld [tilespmem:s28+$0x410]  }
0x168: {  	[tilespmem:s15+$0x110] =	vst v6;
	(v2sf) =	vpush v4, $0xA  }
0x169: {  	v6 =	vld [tilespmem:s1+$0x420]  }
0x16a: {  	[tilespmem:s15+$0xFFFFFF10] =	vst v7  }
0x16b: {  	[tilespmem:s20+$0x110] =	vst v8;
	v8 =	vld [tilespmem:s19+$0x420]  }
0x16c: {  	v7 =	vld [tilespmem:s31+$0x420];
	[tilespmem:s20+$0xFFFFFF10] =	vst v3  }
0x16d: {  	v3 =	vld [tilespmem:s28+$0x420]  }
0x16e: {  	[tilespmem:s15+$0x120] =	vst v6  }
0x16f: {  	v6 =	vld [tilespmem:s1+$0x430]  }
0x170: {  	[tilespmem:s15+$0xFFFFFF20] =	vst v8  }
0x171: {  	[tilespmem:s20+$0x120] =	vst v7;
	v8 =	vld [tilespmem:s19+$0x430]  }
0x172: {  	v7 =	vld [tilespmem:s31+$0x430];
	[tilespmem:s20+$0xFFFFFF20] =	vst v3  }
0x173: {  	v3 =	vld [tilespmem:s28+$0x430]  }
0x174: {  	[tilespmem:s15+$0x130] =	vst v6  }
0x175: {  	v6 =	vld [tilespmem:s29+$0x400]  }
0x176: {  	s5 =	spop (v2sf);
	[tilespmem:s15+$0xFFFFFF30] =	vst v8  }
0x177: {  	s6 =	spop (v2sf);
	[tilespmem:s20+$0x130] =	vst v7;
	v8 =	vld [tilespmem:s18+$0x400]  }
0x178: {  	v7 =	vld [tilespmem:s6+$0x400];
	[tilespmem:s20+$0xFFFFFF30] =	vst v3  }
0x179: {  	v3 =	vld [tilespmem:s24+$0x400]  }
0x17a: {  	[tilespmem:s15+$0x140] =	vst v6  }
0x17b: {  	v6 =	vld [tilespmem:s29+$0x410]  }
0x17c: {  	[tilespmem:s15+$0xFFFFFF40] =	vst v8  }
0x17d: {  	[tilespmem:s20+$0x140] =	vst v7;
	v8 =	vld [tilespmem:s18+$0x410]  }
0x17e: {  	v7 =	vld [tilespmem:s6+$0x410];
	[tilespmem:s20+$0xFFFFFF40] =	vst v3  }
0x17f: {  	v3 =	vld [tilespmem:s24+$0x410]  }
0x180: {  	[tilespmem:s15+$0x150] =	vst v6;
	(v2sf) =	vpush v4, $0xC  }
0x181: {  	v6 =	vld [tilespmem:s29+$0x420]  }
0x182: {  	[tilespmem:s15+$0xFFFFFF50] =	vst v8  }
0x183: {  	[tilespmem:s20+$0x150] =	vst v7;
	v8 =	vld [tilespmem:s18+$0x420]  }
0x184: {  	v7 =	vld [tilespmem:s6+$0x420];
	[tilespmem:s20+$0xFFFFFF50] =	vst v3  }
0x185: {  	v3 =	vld [tilespmem:s24+$0x420]  }
0x186: {  	[tilespmem:s15+$0x160] =	vst v6  }
0x187: {  	v6 =	vld [tilespmem:s29+$0x430]  }
0x188: {  	[tilespmem:s15+$0xFFFFFF60] =	vst v8  }
0x189: {  	[tilespmem:s20+$0x160] =	vst v7;
	v8 =	vld [tilespmem:s18+$0x430]  }
0x18a: {  	v7 =	vld [tilespmem:s6+$0x430];
	[tilespmem:s20+$0xFFFFFF60] =	vst v3  }
0x18b: {  	v3 =	vld [tilespmem:s24+$0x430]  }
0x18c: {  	[tilespmem:s15+$0x170] =	vst v6  }
0x18d: {  	v6 =	vld [tilespmem:s30+$0x400]  }
0x18e: {  	[tilespmem:s15+$0xFFFFFF70] =	vst v8  }
0x18f: {  	s19 =	spop (v2sf);
	[tilespmem:s20+$0x170] =	vst v7;
	v8 =	vld [tilespmem:s17+$0x400]  }
0x190: {  	v7 =	vld [tilespmem:s19+$0x400];
	[tilespmem:s20+$0xFFFFFF70] =	vst v3  }
0x191: {  	v3 =	vld [tilespmem:s22+$0x400]  }
0x192: {  	[tilespmem:s15+$0x180] =	vst v6  }
0x193: {  	v6 =	vld [tilespmem:s30+$0x410]  }
0x194: {  	[tilespmem:s15+$0xFFFFFF80] =	vst v8  }
0x195: {  	[tilespmem:s20+$0x180] =	vst v7;
	v8 =	vld [tilespmem:s17+$0x410]  }
0x196: {  	v7 =	vld [tilespmem:s19+$0x410];
	[tilespmem:s20+$0xFFFFFF80] =	vst v3  }
0x197: {  	v3 =	vld [tilespmem:s22+$0x410]  }
0x198: {  	[tilespmem:s15+$0x190] =	vst v6;
	(v2sf) =	vpush v4, $0xE  }
0x199: {  	v4 =	vld [tilespmem:s30+$0x420]  }
0x19a: {  	[tilespmem:s15+$0xFFFFFF90] =	vst v8  }
0x19b: {  	[tilespmem:s20+$0x190] =	vst v7;
	v7 =	vld [tilespmem:s17+$0x420]  }
0x19c: {  	v6 =	vld [tilespmem:s19+$0x420];
	[tilespmem:s20+$0xFFFFFF90] =	vst v3  }
0x19d: {  	v3 =	vld [tilespmem:s22+$0x420]  }
0x19e: {  	[tilespmem:s15+$0x1A0] =	vst v4  }
0x19f: {  	v4 =	vld [tilespmem:s30+$0x430]  }
0x1a0: {  	[tilespmem:s15+$0xFFFFFFA0] =	vst v7  }
0x1a1: {  	[tilespmem:s20+$0x1A0] =	vst v6;
	v7 =	vld [tilespmem:s17+$0x430]  }
0x1a2: {  	v6 =	vld [tilespmem:s19+$0x430];
	[tilespmem:s20+$0xFFFFFFA0] =	vst v3  }
0x1a3: {  	[tilespmem:s13+$0x1C0] =	vst v5;
	v3 =	vld [tilespmem:s22+$0x430]  }
0x1a4: {  	v5 =	vld [tilespmem:s0+$0x410];
	[tilespmem:s15+$0x1B0] =	vst v4  }
0x1a5: {  	v4 =	vld [tilespmem:s5+$0x400]  }
0x1a6: {  	v8 =	vld [tilespmem:s14+$0x400];
	[tilespmem:s15+$0xFFFFFFB0] =	vst v7  }
0x1a7: {  	s22 =	spop (v2sf);
	[tilespmem:s20+$0x1B0] =	vst v6;
	v7 =	vld [tilespmem:s16+$0x400]  }
0x1a8: {  	v6 =	vld [tilespmem:s22+$0x400];
	[tilespmem:s20+$0xFFFFFFB0] =	vst v3  }
0x1a9: {  	[tilespmem:s13+$0x1D0] =	vst v5;
	v3 =	vld [tilespmem:s23+$0x400]  }
0x1aa: {  	v5 =	vld [tilespmem:s0+$0x420];
	[tilespmem:s15+$0x1C0] =	vst v4  }
0x1ab: {  	v4 =	vld [tilespmem:s5+$0x410];
	[tilespmem:s13+$0xFFFFFFC0] =	vst v8  }
0x1ac: {  	v8 =	vld [tilespmem:s14+$0x410];
	[tilespmem:s15+$0xFFFFFFC0] =	vst v7  }
0x1ad: {  	[tilespmem:s20+$0x1C0] =	vst v6;
	v7 =	vld [tilespmem:s16+$0x410]  }
0x1ae: {  	v6 =	vld [tilespmem:s22+$0x410];
	[tilespmem:s20+$0xFFFFFFC0] =	vst v3  }
0x1af: {  	[tilespmem:s13+$0x1E0] =	vst v5;
	v3 =	vld [tilespmem:s23+$0x410]  }
0x1b0: {  	v5 =	vld [tilespmem:s0+$0x430];
	[tilespmem:s15+$0x1D0] =	vst v4  }
0x1b1: {  	v4 =	vld [tilespmem:s5+$0x420];
	[tilespmem:s13+$0xFFFFFFD0] =	vst v8  }
0x1b2: {  	v8 =	vld [tilespmem:s14+$0x420];
	[tilespmem:s15+$0xFFFFFFD0] =	vst v7  }
0x1b3: {  	[tilespmem:s20+$0x1D0] =	vst v6;
	v7 =	vld [tilespmem:s16+$0x420]  }
0x1b4: {  	v6 =	vld [tilespmem:s22+$0x420];
	[tilespmem:s20+$0xFFFFFFD0] =	vst v3  }
0x1b5: {  	[tilespmem:s13+$0x1F0] =	vst v5;
	v3 =	vld [tilespmem:s23+$0x420]  }
0x1b6: {  	v5 =	vld [tilespmem:s12+$0x430];
	[tilespmem:s15+$0x1E0] =	vst v4  }
0x1b7: {  	v4 =	vld [tilespmem:s5+$0x430];
	[tilespmem:s13+$0xFFFFFFE0] =	vst v8  }
0x1b8: {  	v8 =	vld [tilespmem:s14+$0x430];
	[tilespmem:s15+$0xFFFFFFE0] =	vst v7  }
0x1b9: {  	[tilespmem:s20+$0x1E0] =	vst v6;
	v7 =	vld [tilespmem:s16+$0x430]  }
0x1ba: {  	v6 =	vld [tilespmem:s22+$0x430];
	[tilespmem:s20+$0xFFFFFFE0] =	vst v3  }
0x1bb: {  	[tilespmem:s11+$0xFFFFFFF0] =	vst v5;
	s24 =	simm.s32 $0x1;
	v3 =	vld [tilespmem:s23+$0x430]  }
0x1bc: {  	s25 =	simm.s32 $0x21;
	[tilespmem:s15+$0x1F0] =	vst v4;
	v4 =	vor.u32 s24, v1  }
0x1bd: {  	v5 =	vor.u32 s25, v1;
	[tilespmem:s13+$0xFFFFFFF0] =	vst v8  }
0x1be: {  	[tilespmem:s15+$0xFFFFFFF0] =	vst v7  }
0x1bf: {  	[tilespmem:s20+$0x1F0] =	vst v6  }
0x1c0: {  	[tilespmem:s20+$0xFFFFFFF0] =	vst v3  }
0x1c1: {  	v3 =	vld.idx.msk [tilespmem:v4+s2+$0x0], $0xffff  }
0x1c2: {  	v4 =	vld.idx.msk [tilespmem:v5+s2+$0x0], $0xffff  }
0x1c3: {  	s26 =	simm.s32 $0x41  }
0x1c4: {  	s28 =	simm.s32 $0x61;
	v5 =	vor.u32 s26, v1  }
0x1c5: {  	v6 =	vor.u32 s28, v1  }
0x1c6: {  	s30 =	simm.s32 $0x3F  }
0x1c7: {  	s29 =	simm.s32 $0x43F;
	v11 =	vcvt.s32.f32 v4;
	v4 =	vor.u32 s30, v0  }
0x1c8: {  	s31 =	simm.s32 $0x81;
	v9 =	vcvt.s32.f32 v3;
	v3 =	vor.u32 s29, v2  }
0x1c9: {  	s0 =	simm.s32 $0xA1;
	v8 =	vor.u32 s31, v1;
	v5 =	vld.idx.msk [tilespmem:v5+s2+$0x0], $0xffff  }
0x1ca: {  	s1 =	simm.s32 $0xC3F;
	v7 =	vor.u32 s0, v1;
	v6 =	vld.idx.msk [tilespmem:v6+s2+$0x0], $0xffff;
	v10 =	vmul.f32 $1.000000050e-03, v9;
	v9 =	vmul.f32 $1.000000050e-03, v11  }
.LBB2_4:
0x1cb: {  	s21 =	sadd.s32 $0x2, s21  }
0x1cc: {  	s3 =	sadd.s32 $0xFFFFFC00, s1;
	[tilespmem:v4+s9+$0x0] =	vst.idx.msk $0xffff, v10;
	p0 =	slt.u32 s21, $0x1E  }
.Ltmp1:
0x1cd: {  	s0 =	sadd.s32 $0x40, s0;
	v4 =	vor.u32 s3, v0;
	[tilespmem:v3+s9+$0x0] =	vst.idx.msk $0xffff, v9;
	v3 =	vor.u32 s1, v2;
	(pc) =	sbr.rel @p0 .LBB2_4-.Ltmp1, $4  }
0x1ce: {  	s3 =	sadd.s32 $0xFFFFFFE0, s0;
	v9 =	vcvt.s32.f32 v5;
	v5 =	vld.idx.msk [tilespmem:v8+s2+$0x0], $0xffff  }
0x1cf: {  	v8 =	vor.u32 s3, v1;
	v11 =	vcvt.s32.f32 v6;
	v6 =	vld.idx.msk [tilespmem:v7+s2+$0x0], $0xffff;
	v7 =	vor.u32 s0, v1  }
0x1d0: {  	v10 =	vmul.f32 $1.000000050e-03, v9  }
0x1d1: {  	s1 =	sadd.s32 $0x800, s1;
	v9 =	vmul.f32 $1.000000050e-03, v11  }
0x1d2: {  	_ =	sdelay $0x3  }
0x1d3: {  	v8 =	vld.idx.msk [tilespmem:v8+s2+$0x0], $0xffff  }
0x1d4: {  	s0 =	sadd.s32 $0xFFFFFC00, s1;
	v7 =	vld.idx.msk [tilespmem:v7+s2+$0x0], $0xffff  }
0x1d5: {  	s28 =	sadd.s32 $0x800, s1;
	v11 =	vor.u32 s0, v0  }
0x1d6: {  	v12 =	vor.u32 s1, v2;
	v5 =	vcvt.s32.f32 v5;
	s29 =	sadd.s32 $0xFFFFFC00, s28  }
0x1d7: {  	v6 =	vcvt.s32.f32 v6;
	v13 =	vor.u32 s29, v0  }
0x1d8: {  	[tilespmem:v4+s9+$0x0] =	vst.idx.msk $0xffff, v10;
	v61 =	vor.u32 s28, v2;
	v60 =	vmul.f32 $1.000000050e-03, v5;
	v8 =	vcvt.s32.f32 v8  }
0x1d9: {  	[tilespmem:v3+s9+$0x0] =	vst.idx.msk $0xffff, v9;
	v3 =	vmul.f32 $1.000000050e-03, v6;
	v62 =	vcvt.s32.f32 v7  }
0x1da: {  	[tilespmem:v11+s9+$0x0] =	vst.idx.msk $0xffff, v60;
	v63 =	vmul.f32 $1.000000050e-03, v8  }
0x1db: {  	[tilespmem:v12+s9+$0x0] =	vst.idx.msk $0xffff, v3;
	v3 =	vmul.f32 $1.000000050e-03, v62  }
0x1dc: {  	[tilespmem:v13+s9+$0x0] =	vst.idx.msk $0xffff, v63  }
0x1dd: {  	[tilespmem:v61+s9+$0x0] =	vst.idx.msk $0xffff, v3  }
0x1de: {  	s30 =	rddreg [dreg:$0x5]  }
0x1df: {  	[hbm4b:s30+s2] =	stream.linear.scatter [tilespmem:s9], [sflag:$0x1], $0x8000, $0x38;
	[tilespmem:$0x8800] =	vst v63  }
0x1e0: {  	_ =	swait.ge [sflag:s8], $0x8000  }
0x1e1: {  	s10 =	sadd.s32 $0x1, s10;
	s31 =	rddreg [dreg:$0x6]  }
0x1e2: {  	p0 =	sne.s32 s10, s31  }
.Ltmp2:
0x1e3: {  	_ = 	snop;
	(pc) =	sbr.rel @p0 .LBB2_1-.Ltmp2, $3  }
0x1e4: {  	_ =	sdelay $0x1  }
0x1e5: {  	[sflag:s8] =	ssyncset.done $0x0  }
0x1e6: {  	[sflag:s8] =	ssyncadd.s32 $0xFFFF8000  }
0x1e7: {  	_ =	sfence.sel $0x180000  }
0x1e8: {  	[bflag:$0x0] =	sbarrier.arrive $0xFFFF  }
0x1e9: {  	_ =	strace $0x90000047  }
0x1ea: {  	s0 =	stileid.u32;
	[bflag:$0x2] =	sbarrier.arrive $0xFFFF  }
0x1eb: {  	p0 =	sne.s32 s0, $0x0;
	s0 =	rddreg [dreg:$0x2]  }
0x1ec: {  	s0 =	sadd.s32 @!p0 $0x100000, s0  }
0x1ed: {  	[sflag:s0] =	ssyncadd.tile.s32 @!p0 $0x1;
	_ =	shalt  }
.Lfunc_end2:
_tile_overlayer_lowered:
.L_overlay_start_2:
0x1ee: {  	(tag) =	ssettag $0x2  }
0x1ef: {  	s0 =	rddreg [dreg:$0x0];
	s2 =	stileid.u32  }
0x1f0: {  	s1 =	rddreg [dreg:$0x1];
	p0 =	sne.s32 s2, $0x0  }
0x1f1: {  	s3 =	rddreg [dreg:$0x2];
	[bflag:$0x3] =	sbarrier.arrive $0xFFFF;
	s2 =	simm.s32 @!p0 $0x1C02  }
0x1f2: {  	[timem:s3], [sflag:s2] =	dma.local @!p0 [hbm:s0], s1  }
0x1f3: {  	s0 =	simm.s32 @!p0 $0x2  }
0x1f4: {  	_ =	swait.ge @!p0 [sflag:s0], s1  }
0x1f5: {  	s1 =	ssub.s32 @!p0 $0x0, s1;
	[sflag:s0] =	ssyncset.done @!p0 $0x0  }
0x1f6: {  	[sflag:s0] =	ssyncadd.s32 @!p0 s1  }
0x1f7: {  	[bflag:$0x3] =	sbarrier.arrive $0xFFFF  }
0x1f8: {  	_ =	shalt  }

</sc_bundles>
